<compile_context>
chip_gen: v7x
topology: tpu7x:2x2x1
jax: 0.10.2.dev20260603
libtpu: 0.0.44.dev20260713+nightly
codegen_flags: <defaults>
</compile_context>

<pallas_src>
import functools

import jax
import jax.numpy as jnp
from jax import lax
from jax.experimental import pallas as pl
from jax.experimental.pallas import tpu as pltpu
from jax.experimental.pallas import tpu_sc as plsc

_GROUP = 16
_NUM_WORKERS = 32
_CHUNK_ROWS = 2
_NIN = 4
_NOUT = 8


def _group_sort_2d(n_rows, n_cols):
    rows_per_worker = n_rows // _NUM_WORKERS
    chunks_per_worker = rows_per_worker // _CHUNK_ROWS
    assert n_rows % (_NUM_WORKERS * _CHUNK_ROWS * _NOUT) == 0
    n_t = chunks_per_worker // _NOUT

    mesh = plsc.VectorSubcoreMesh(core_axis_name="c", subcore_axis_name="s")

    @functools.partial(
        pl.kernel,
        out_type=jax.ShapeDtypeStruct((n_rows, n_cols), jnp.float32),
        mesh=mesh,
        scratch_types=(
            [pltpu.VMEM((_CHUNK_ROWS, n_cols), jnp.float32)] * (_NIN + _NOUT)
            + [pltpu.SemaphoreType.DMA] * (_NIN + _NOUT)
        ),
        compiler_params=pltpu.CompilerParams(needs_layout_passes=False),
    )
    def sc_sort(x_hbm, out_hbm, *bufs_and_sems):
        ins = bufs_and_sems[:_NIN]
        outs = bufs_and_sems[_NIN : _NIN + _NOUT]
        sins = bufs_and_sems[_NIN + _NOUT : 2 * _NIN + _NOUT]
        souts = bufs_and_sems[2 * _NIN + _NOUT :]

        wid = lax.axis_index("s") * 2 + lax.axis_index("c")
        base = wid * rows_per_worker

        def in_copy(g, b):
            return pltpu.make_async_copy(
                x_hbm.at[pl.ds(base + g * _CHUNK_ROWS, _CHUNK_ROWS), :],
                ins[b],
                sins[b],
            )

        def out_copy(g, b):
            return pltpu.make_async_copy(
                outs[b],
                out_hbm.at[pl.ds(base + g * _CHUNK_ROWS, _CHUNK_ROWS), :],
                souts[b],
            )

        for b in range(_NIN):
            in_copy(b, b).start()

        def t_body(t, _):
            for b in range(_NOUT):
                g = _NOUT * t + b
                bi = b % _NIN
                ib, ob = ins[bi], outs[b]

                in_copy(g, bi).wait()

                @pl.when(t > 0)
                def _():
                    out_copy(g, b).wait()

                @plsc.parallel_loop(0, n_cols, step=_GROUP, unroll=2)
                def _(i):
                    for r in range(_CHUNK_ROWS):
                        v = ib[r, pl.ds(i, _GROUP)]
                        sorted_keys, _ = plsc.sort_key_val(v, v)
                        ob[r, pl.ds(i, _GROUP)] = sorted_keys

                out_copy(g, b).start()

                if b < _NIN:
                    in_copy(g + _NIN, bi).start()
                else:

                    @pl.when(t < n_t - 1)
                    def _():
                        in_copy(g + _NIN, bi).start()

            return 0

        lax.fori_loop(0, n_t, t_body, 0)

        for b in range(_NOUT):
            out_copy(_NOUT * (n_t - 1) + b, b).wait()

    return sc_sort


def kernel(x):
    shape = x.shape
    n_cols = shape[-1]
    n_rows = x.size // n_cols
    x2 = x.reshape(n_rows, n_cols)
    out = _group_sort_2d(n_rows, n_cols)(x2)
    return out.reshape(shape)

# --- scband reference (transcript-rebuilt; emitter-appended) ---
"""Pipeline reference for scband-group-sort-19224273617184 (READ-ONLY COPY).

The authoritative reference and input builder live on the scoring server;
editing this copy changes nothing except your own understanding.
"""

import jax, jax.numpy as jnp
import numpy as np

N_PER_GROUP = 16
AXIS = -1

def setup_inputs(seed: int = 0) -> dict:
    key = jax.random.key(seed)
    x = jax.random.normal(key, (4, 4096, 4096), dtype=jnp.float32)
    return {"x": x}

def reference(x):
    # GroupSort with axis=-1: reshape last dim into groups of N_PER_GROUP,
    # sort within each group, reshape back.
    shape = x.shape
    num_features = shape[AXIS]
    assert num_features % N_PER_GROUP == 0
    grouped = x.reshape(shape[:-1] + (num_features // N_PER_GROUP, N_PER_GROUP))
    sorted_grouped = jnp.sort(grouped, axis=-1)
    return sorted_grouped.reshape(shape)

if __name__ == "__main__":
    import jax
    _d = setup_inputs()
    print(jax.jit(kernel)(*tuple(_d.values())))

</pallas_src>

<mosaic_0001>
#map = affine_map<(d0, d1) -> (0, 0)>
module attributes {stable_mosaic.version = 14 : i64} {
  func.func @sc_sort(%arg0: i32, %arg1: i32, %arg2: memref<16384x4096xf32, #tpu.memory_space<hbm>>, %arg3: memref<16384x4096xf32, #tpu.memory_space<hbm>>, %arg4: memref<2x4096xf32, #tpu.memory_space<vmem>>, %arg5: memref<2x4096xf32, #tpu.memory_space<vmem>>, %arg6: memref<2x4096xf32, #tpu.memory_space<vmem>>, %arg7: memref<2x4096xf32, #tpu.memory_space<vmem>>, %arg8: memref<2x4096xf32, #tpu.memory_space<vmem>>, %arg9: memref<2x4096xf32, #tpu.memory_space<vmem>>, %arg10: memref<2x4096xf32, #tpu.memory_space<vmem>>, %arg11: memref<2x4096xf32, #tpu.memory_space<vmem>>, %arg12: memref<2x4096xf32, #tpu.memory_space<vmem>>, %arg13: memref<2x4096xf32, #tpu.memory_space<vmem>>, %arg14: memref<2x4096xf32, #tpu.memory_space<vmem>>, %arg15: memref<2x4096xf32, #tpu.memory_space<vmem>>, %arg16: memref<!tpu.dma_semaphore, #tpu.memory_space<semaphore_mem>>, %arg17: memref<!tpu.dma_semaphore, #tpu.memory_space<semaphore_mem>>, %arg18: memref<!tpu.dma_semaphore, #tpu.memory_space<semaphore_mem>>, %arg19: memref<!tpu.dma_semaphore, #tpu.memory_space<semaphore_mem>>, %arg20: memref<!tpu.dma_semaphore, #tpu.memory_space<semaphore_mem>>, %arg21: memref<!tpu.dma_semaphore, #tpu.memory_space<semaphore_mem>>, %arg22: memref<!tpu.dma_semaphore, #tpu.memory_space<semaphore_mem>>, %arg23: memref<!tpu.dma_semaphore, #tpu.memory_space<semaphore_mem>>, %arg24: memref<!tpu.dma_semaphore, #tpu.memory_space<semaphore_mem>>, %arg25: memref<!tpu.dma_semaphore, #tpu.memory_space<semaphore_mem>>, %arg26: memref<!tpu.dma_semaphore, #tpu.memory_space<semaphore_mem>>, %arg27: memref<!tpu.dma_semaphore, #tpu.memory_space<semaphore_mem>>) attributes {dimension_semantics = [#tpu.dimension_semantics<core_parallel>, #tpu.dimension_semantics<subcore_parallel>], iteration_bounds = array<i64: 2, 16>, scalar_prefetch = 0 : i64, scratch_operands = 24 : i64, tpu.core_type = #tpu.core_type<sc_vector_subcore>, window_params = [{transform_indices = #map}, {transform_indices = #map}]} {
    %mul3A = arith.constant 2 : i32
    %mul3A_0 = arith.muli %arg1, %mul3A : i32
    %add3A = arith.addi %mul3A_0, %arg0 : i32
    %mul3A_1 = arith.constant 512 : i32
    %mul3A_2 = arith.muli %add3A, %mul3A_1 : i32
    %add3A_3 = arith.constant 0 : i32
    %add3A_4 = arith.addi %mul3A_2, %add3A_3 : i32
    %dma_start3A = arith.constant 0 : i32
    %dma_start3A_5 = tpu.memref_slice %arg2[%add3A_4, %dma_start3A] : memref<16384x4096xf32, #tpu.memory_space<hbm>> -> memref<2x4096xf32, #tpu.memory_space<hbm>>
    %dma_start3A_6 = arith.constant 0 : i32
    %dma_start3A_7 = tpu.memref_slice %arg2[%add3A_4, %dma_start3A_6] : memref<16384x4096xf32, #tpu.memory_space<hbm>> -> memref<2x4096xf32, #tpu.memory_space<hbm>>
    tpu.enqueue_dma source(%dma_start3A_7 : memref<2x4096xf32, #tpu.memory_space<hbm>>) target(%arg4 : memref<2x4096xf32, #tpu.memory_space<vmem>>) target_semaphore(%arg16 : memref<!tpu.dma_semaphore, #tpu.memory_space<semaphore_mem>>)
    %add3A_8 = arith.constant 2 : i32
    %add3A_9 = arith.addi %mul3A_2, %add3A_8 : i32
    %dma_start3A_10 = arith.constant 0 : i32
    %dma_start3A_11 = tpu.memref_slice %arg2[%add3A_9, %dma_start3A_10] : memref<16384x4096xf32, #tpu.memory_space<hbm>> -> memref<2x4096xf32, #tpu.memory_space<hbm>>
    %dma_start3A_12 = arith.constant 0 : i32
    %dma_start3A_13 = tpu.memref_slice %arg2[%add3A_9, %dma_start3A_12] : memref<16384x4096xf32, #tpu.memory_space<hbm>> -> memref<2x4096xf32, #tpu.memory_space<hbm>>
    tpu.enqueue_dma source(%dma_start3A_13 : memref<2x4096xf32, #tpu.memory_space<hbm>>) target(%arg5 : memref<2x4096xf32, #tpu.memory_space<vmem>>) target_semaphore(%arg17 : memref<!tpu.dma_semaphore, #tpu.memory_space<semaphore_mem>>)
    %add3A_14 = arith.constant 4 : i32
    %add3A_15 = arith.addi %mul3A_2, %add3A_14 : i32
    %dma_start3A_16 = arith.constant 0 : i32
    %dma_start3A_17 = tpu.memref_slice %arg2[%add3A_15, %dma_start3A_16] : memref<16384x4096xf32, #tpu.memory_space<hbm>> -> memref<2x4096xf32, #tpu.memory_space<hbm>>
    %dma_start3A_18 = arith.constant 0 : i32
    %dma_start3A_19 = tpu.memref_slice %arg2[%add3A_15, %dma_start3A_18] : memref<16384x4096xf32, #tpu.memory_space<hbm>> -> memref<2x4096xf32, #tpu.memory_space<hbm>>
    tpu.enqueue_dma source(%dma_start3A_19 : memref<2x4096xf32, #tpu.memory_space<hbm>>) target(%arg6 : memref<2x4096xf32, #tpu.memory_space<vmem>>) target_semaphore(%arg18 : memref<!tpu.dma_semaphore, #tpu.memory_space<semaphore_mem>>)
    %add3A_20 = arith.constant 6 : i32
    %add3A_21 = arith.addi %mul3A_2, %add3A_20 : i32
    %dma_start3A_22 = arith.constant 0 : i32
    %dma_start3A_23 = tpu.memref_slice %arg2[%add3A_21, %dma_start3A_22] : memref<16384x4096xf32, #tpu.memory_space<hbm>> -> memref<2x4096xf32, #tpu.memory_space<hbm>>
    %dma_start3A_24 = arith.constant 0 : i32
    %dma_start3A_25 = tpu.memref_slice %arg2[%add3A_21, %dma_start3A_24] : memref<16384x4096xf32, #tpu.memory_space<hbm>> -> memref<2x4096xf32, #tpu.memory_space<hbm>>
    tpu.enqueue_dma source(%dma_start3A_25 : memref<2x4096xf32, #tpu.memory_space<hbm>>) target(%arg7 : memref<2x4096xf32, #tpu.memory_space<vmem>>) target_semaphore(%arg19 : memref<!tpu.dma_semaphore, #tpu.memory_space<semaphore_mem>>)
    %scan3A = arith.constant 0 : i32
    %scan3A_26 = arith.constant 0 : i32
    %scan3A_27 = arith.constant 32 : i32
    %scan3A_28 = arith.addi %scan3A_26, %scan3A_27 : i32
    %scan3A_29 = arith.constant 1 : i32
    %scan3A_30 = scf.for %scan3A_79 = %scan3A_26 to %scan3A_28 step %scan3A_29 iter_args(%scan3A_80 = %scan3A) -> (i32)  : i32 {
      %mul3A_81 = arith.constant 8 : i32
      %mul3A_82 = arith.muli %mul3A_81, %scan3A_79 : i32
      %add3A_83 = arith.constant 0 : i32
      %add3A_84 = arith.addi %mul3A_82, %add3A_83 : i32
      %mul3A_85 = arith.constant 2 : i32
      %mul3A_86 = arith.muli %add3A_84, %mul3A_85 : i32
      %add3A_87 = arith.addi %mul3A_2, %mul3A_86 : i32
      %dma_wait3A_88 = arith.constant 0 : i32
      %dma_wait3A_89 = tpu.memref_slice %arg2[%add3A_87, %dma_wait3A_88] : memref<16384x4096xf32, #tpu.memory_space<hbm>> -> memref<2x4096xf32, #tpu.memory_space<hbm>>
      %dma_wait3A_90 = arith.constant 0 : i32
      %dma_wait3A_91 = tpu.memref_slice %arg2[%add3A_87, %dma_wait3A_90] : memref<16384x4096xf32, #tpu.memory_space<hbm>> -> memref<2x4096xf32, #tpu.memory_space<hbm>>
      tpu.wait_dma2 semaphore(%arg16 : memref<!tpu.dma_semaphore, #tpu.memory_space<semaphore_mem>>) src(%dma_wait3A_91 : memref<2x4096xf32, #tpu.memory_space<hbm>>) dst(%arg4 : memref<2x4096xf32, #tpu.memory_space<vmem>>)
      %gt3A = arith.constant 0 : i32
      %gt3A_92 = arith.cmpi sgt, %scan3A_79, %gt3A : i32
      %convert_element_type3A = arith.extui %gt3A_92 : i1 to i32
      %cond3A = arith.constant 0 : i32
      %cond3A_93 = arith.cmpi ne, %convert_element_type3A, %cond3A : i32
      scf.if %cond3A_93 {
        %mul3A_341 = arith.constant 2 : i32
        %mul3A_342 = arith.muli %add3A_84, %mul3A_341 : i32
        %add3A_343 = arith.addi %mul3A_2, %mul3A_342 : i32
        %dma_wait3A_344 = arith.constant 0 : i32
        %dma_wait3A_345 = tpu.memref_slice %arg3[%add3A_343, %dma_wait3A_344] : memref<16384x4096xf32, #tpu.memory_space<hbm>> -> memref<2x4096xf32, #tpu.memory_space<hbm>>
        %dma_wait3A_346 = arith.constant 0 : i32
        %dma_wait3A_347 = tpu.memref_slice %arg3[%add3A_343, %dma_wait3A_346] : memref<16384x4096xf32, #tpu.memory_space<hbm>> -> memref<2x4096xf32, #tpu.memory_space<hbm>>
        tpu.wait_dma2 semaphore(%arg20 : memref<!tpu.dma_semaphore, #tpu.memory_space<semaphore_mem>>) src(%arg8 : memref<2x4096xf32, #tpu.memory_space<vmem>>) dst(%dma_wait3A_347 : memref<2x4096xf32, #tpu.memory_space<hbm>>)
      } else {
      }
      %parallel_loop3A = arith.constant 0 : i32
      %parallel_loop3A_94 = arith.constant 4096 : i32
      %parallel_loop3A_95 = arith.constant 16 : i32
      scf.for %parallel_loop3A_341 = %parallel_loop3A to %parallel_loop3A_94 step %parallel_loop3A_95  : i32 {
        %parallel_loop3A_342 = arith.constant 0 : i32
        %parallel_loop3A_343 = arith.index_cast %parallel_loop3A_342 : i32 to index
        %parallel_loop3A_344 = arith.index_cast %parallel_loop3A_341 : i32 to index
        %parallel_loop3A_345 = tpu.vector_load %arg4[%parallel_loop3A_343, %parallel_loop3A_344] {strides = array<i32>} : memref<2x4096xf32, #tpu.memory_space<vmem>>, vector<16xf32>,
        %parallel_loop3A_346 = arith.constant dense<true> : vector<16xi1>
        %parallel_loop3A_347, %parallel_loop3A_348, %parallel_loop3A_349 = tpu.sort %parallel_loop3A_345, %parallel_loop3A_345 masked %parallel_loop3A_346 : (vector<16xf32>, vector<16xf32>, vector<16xi1>) -> (vector<16xi1>, vector<16xf32>, vector<16xf32>)
        %parallel_loop3A_350 = arith.constant 0 : i32
        %parallel_loop3A_351 = arith.index_cast %parallel_loop3A_350 : i32 to index
        %parallel_loop3A_352 = arith.index_cast %parallel_loop3A_341 : i32 to index
        %parallel_loop3A_353 = tpu.vector_load %arg8[%parallel_loop3A_351, %parallel_loop3A_352] {strides = array<i32>} : memref<2x4096xf32, #tpu.memory_space<vmem>>, vector<16xf32>,
        tpu.vector_store %arg8[%parallel_loop3A_351, %parallel_loop3A_352], %parallel_loop3A_348 {strides = array<i32>} : memref<2x4096xf32, #tpu.memory_space<vmem>>, vector<16xf32>,
        %parallel_loop3A_354 = arith.constant 1 : i32
        %parallel_loop3A_355 = arith.index_cast %parallel_loop3A_354 : i32 to index
        %parallel_loop3A_356 = arith.index_cast %parallel_loop3A_341 : i32 to index
        %parallel_loop3A_357 = tpu.vector_load %arg4[%parallel_loop3A_355, %parallel_loop3A_356] {strides = array<i32>} : memref<2x4096xf32, #tpu.memory_space<vmem>>, vector<16xf32>,
        %parallel_loop3A_358 = arith.constant dense<true> : vector<16xi1>
        %parallel_loop3A_359, %parallel_loop3A_360, %parallel_loop3A_361 = tpu.sort %parallel_loop3A_357, %parallel_loop3A_357 masked %parallel_loop3A_358 : (vector<16xf32>, vector<16xf32>, vector<16xi1>) -> (vector<16xi1>, vector<16xf32>, vector<16xf32>)
        %parallel_loop3A_362 = arith.constant 1 : i32
        %parallel_loop3A_363 = arith.index_cast %parallel_loop3A_362 : i32 to index
        %parallel_loop3A_364 = arith.index_cast %parallel_loop3A_341 : i32 to index
        %parallel_loop3A_365 = tpu.vector_load %arg8[%parallel_loop3A_363, %parallel_loop3A_364] {strides = array<i32>} : memref<2x4096xf32, #tpu.memory_space<vmem>>, vector<16xf32>,
        tpu.vector_store %arg8[%parallel_loop3A_363, %parallel_loop3A_364], %parallel_loop3A_360 {strides = array<i32>} : memref<2x4096xf32, #tpu.memory_space<vmem>>, vector<16xf32>,
      } {sc.loop_unroll_factor = 2 : i64, sc.parallel_access}
      %mul3A_96 = arith.constant 2 : i32
      %mul3A_97 = arith.muli %add3A_84, %mul3A_96 : i32
      %add3A_98 = arith.addi %mul3A_2, %mul3A_97 : i32
      %dma_start3A_99 = arith.constant 0 : i32
      %dma_start3A_100 = tpu.memref_slice %arg3[%add3A_98, %dma_start3A_99] : memref<16384x4096xf32, #tpu.memory_space<hbm>> -> memref<2x4096xf32, #tpu.memory_space<hbm>>
      %dma_start3A_101 = arith.constant 0 : i32
      %dma_start3A_102 = tpu.memref_slice %arg3[%add3A_98, %dma_start3A_101] : memref<16384x4096xf32, #tpu.memory_space<hbm>> -> memref<2x4096xf32, #tpu.memory_space<hbm>>
      tpu.enqueue_dma source(%arg8 : memref<2x4096xf32, #tpu.memory_space<vmem>>) target(%dma_start3A_102 : memref<2x4096xf32, #tpu.memory_space<hbm>>) target_semaphore(%arg20 : memref<!tpu.dma_semaphore, #tpu.memory_space<semaphore_mem>>)
      %add3A_103 = arith.constant 4 : i32
      %add3A_104 = arith.addi %add3A_84, %add3A_103 : i32
      %mul3A_105 = arith.constant 2 : i32
      %mul3A_106 = arith.muli %add3A_104, %mul3A_105 : i32
      %add3A_107 = arith.addi %mul3A_2, %mul3A_106 : i32
      %dma_start3A_108 = arith.constant 0 : i32
      %dma_start3A_109 = tpu.memref_slice %arg2[%add3A_107, %dma_start3A_108] : memref<16384x4096xf32, #tpu.memory_space<hbm>> -> memref<2x4096xf32, #tpu.memory_space<hbm>>
      %dma_start3A_110 = arith.constant 0 : i32
      %dma_start3A_111 = tpu.memref_slice %arg2[%add3A_107, %dma_start3A_110] : memref<16384x4096xf32, #tpu.memory_space<hbm>> -> memref<2x4096xf32, #tpu.memory_space<hbm>>
      tpu.enqueue_dma source(%dma_start3A_111 : memref<2x4096xf32, #tpu.memory_space<hbm>>) target(%arg4 : memref<2x4096xf32, #tpu.memory_space<vmem>>) target_semaphore(%arg16 : memref<!tpu.dma_semaphore, #tpu.memory_space<semaphore_mem>>)
      %mul3A_112 = arith.constant 8 : i32
      %mul3A_113 = arith.muli %mul3A_112, %scan3A_79 : i32
      %add3A_114 = arith.constant 1 : i32
      %add3A_115 = arith.addi %mul3A_113, %add3A_114 : i32
      %mul3A_116 = arith.constant 2 : i32
      %mul3A_117 = arith.muli %add3A_115, %mul3A_116 : i32
      %add3A_118 = arith.addi %mul3A_2, %mul3A_117 : i32
      %dma_wait3A_119 = arith.constant 0 : i32
      %dma_wait3A_120 = tpu.memref_slice %arg2[%add3A_118, %dma_wait3A_119] : memref<16384x4096xf32, #tpu.memory_space<hbm>> -> memref<2x4096xf32, #tpu.memory_space<hbm>>
      %dma_wait3A_121 = arith.constant 0 : i32
      %dma_wait3A_122 = tpu.memref_slice %arg2[%add3A_118, %dma_wait3A_121] : memref<16384x4096xf32, #tpu.memory_space<hbm>> -> memref<2x4096xf32, #tpu.memory_space<hbm>>
      tpu.wait_dma2 semaphore(%arg17 : memref<!tpu.dma_semaphore, #tpu.memory_space<semaphore_mem>>) src(%dma_wait3A_122 : memref<2x4096xf32, #tpu.memory_space<hbm>>) dst(%arg5 : memref<2x4096xf32, #tpu.memory_space<vmem>>)
      %gt3A_123 = arith.constant 0 : i32
      %gt3A_124 = arith.cmpi sgt, %scan3A_79, %gt3A_123 : i32
      %convert_element_type3A_125 = arith.extui %gt3A_124 : i1 to i32
      %cond3A_126 = arith.constant 0 : i32
      %cond3A_127 = arith.cmpi ne, %convert_element_type3A_125, %cond3A_126 : i32
      scf.if %cond3A_127 {
        %mul3A_341 = arith.constant 2 : i32
        %mul3A_342 = arith.muli %add3A_115, %mul3A_341 : i32
        %add3A_343 = arith.addi %mul3A_2, %mul3A_342 : i32
        %dma_wait3A_344 = arith.constant 0 : i32
        %dma_wait3A_345 = tpu.memref_slice %arg3[%add3A_343, %dma_wait3A_344] : memref<16384x4096xf32, #tpu.memory_space<hbm>> -> memref<2x4096xf32, #tpu.memory_space<hbm>>
        %dma_wait3A_346 = arith.constant 0 : i32
        %dma_wait3A_347 = tpu.memref_slice %arg3[%add3A_343, %dma_wait3A_346] : memref<16384x4096xf32, #tpu.memory_space<hbm>> -> memref<2x4096xf32, #tpu.memory_space<hbm>>
        tpu.wait_dma2 semaphore(%arg21 : memref<!tpu.dma_semaphore, #tpu.memory_space<semaphore_mem>>) src(%arg9 : memref<2x4096xf32, #tpu.memory_space<vmem>>) dst(%dma_wait3A_347 : memref<2x4096xf32, #tpu.memory_space<hbm>>)
      } else {
      }
      %parallel_loop3A_128 = arith.constant 0 : i32
      %parallel_loop3A_129 = arith.constant 4096 : i32
      %parallel_loop3A_130 = arith.constant 16 : i32
      scf.for %parallel_loop3A_341 = %parallel_loop3A_128 to %parallel_loop3A_129 step %parallel_loop3A_130  : i32 {
        %parallel_loop3A_342 = arith.constant 0 : i32
        %parallel_loop3A_343 = arith.index_cast %parallel_loop3A_342 : i32 to index
        %parallel_loop3A_344 = arith.index_cast %parallel_loop3A_341 : i32 to index
        %parallel_loop3A_345 = tpu.vector_load %arg5[%parallel_loop3A_343, %parallel_loop3A_344] {strides = array<i32>} : memref<2x4096xf32, #tpu.memory_space<vmem>>, vector<16xf32>,
        %parallel_loop3A_346 = arith.constant dense<true> : vector<16xi1>
        %parallel_loop3A_347, %parallel_loop3A_348, %parallel_loop3A_349 = tpu.sort %parallel_loop3A_345, %parallel_loop3A_345 masked %parallel_loop3A_346 : (vector<16xf32>, vector<16xf32>, vector<16xi1>) -> (vector<16xi1>, vector<16xf32>, vector<16xf32>)
        %parallel_loop3A_350 = arith.constant 0 : i32
        %parallel_loop3A_351 = arith.index_cast %parallel_loop3A_350 : i32 to index
        %parallel_loop3A_352 = arith.index_cast %parallel_loop3A_341 : i32 to index
        %parallel_loop3A_353 = tpu.vector_load %arg9[%parallel_loop3A_351, %parallel_loop3A_352] {strides = array<i32>} : memref<2x4096xf32, #tpu.memory_space<vmem>>, vector<16xf32>,
        tpu.vector_store %arg9[%parallel_loop3A_351, %parallel_loop3A_352], %parallel_loop3A_348 {strides = array<i32>} : memref<2x4096xf32, #tpu.memory_space<vmem>>, vector<16xf32>,
        %parallel_loop3A_354 = arith.constant 1 : i32
        %parallel_loop3A_355 = arith.index_cast %parallel_loop3A_354 : i32 to index
        %parallel_loop3A_356 = arith.index_cast %parallel_loop3A_341 : i32 to index
        %parallel_loop3A_357 = tpu.vector_load %arg5[%parallel_loop3A_355, %parallel_loop3A_356] {strides = array<i32>} : memref<2x4096xf32, #tpu.memory_space<vmem>>, vector<16xf32>,
        %parallel_loop3A_358 = arith.constant dense<true> : vector<16xi1>
        %parallel_loop3A_359, %parallel_loop3A_360, %parallel_loop3A_361 = tpu.sort %parallel_loop3A_357, %parallel_loop3A_357 masked %parallel_loop3A_358 : (vector<16xf32>, vector<16xf32>, vector<16xi1>) -> (vector<16xi1>, vector<16xf32>, vector<16xf32>)
        %parallel_loop3A_362 = arith.constant 1 : i32
        %parallel_loop3A_363 = arith.index_cast %parallel_loop3A_362 : i32 to index
        %parallel_loop3A_364 = arith.index_cast %parallel_loop3A_341 : i32 to index
        %parallel_loop3A_365 = tpu.vector_load %arg9[%parallel_loop3A_363, %parallel_loop3A_364] {strides = array<i32>} : memref<2x4096xf32, #tpu.memory_space<vmem>>, vector<16xf32>,
        tpu.vector_store %arg9[%parallel_loop3A_363, %parallel_loop3A_364], %parallel_loop3A_360 {strides = array<i32>} : memref<2x4096xf32, #tpu.memory_space<vmem>>, vector<16xf32>,
      } {sc.loop_unroll_factor = 2 : i64, sc.parallel_access}
      %mul3A_131 = arith.constant 2 : i32
      %mul3A_132 = arith.muli %add3A_115, %mul3A_131 : i32
      %add3A_133 = arith.addi %mul3A_2, %mul3A_132 : i32
      %dma_start3A_134 = arith.constant 0 : i32
      %dma_start3A_135 = tpu.memref_slice %arg3[%add3A_133, %dma_start3A_134] : memref<16384x4096xf32, #tpu.memory_space<hbm>> -> memref<2x4096xf32, #tpu.memory_space<hbm>>
      %dma_start3A_136 = arith.constant 0 : i32
      %dma_start3A_137 = tpu.memref_slice %arg3[%add3A_133, %dma_start3A_136] : memref<16384x4096xf32, #tpu.memory_space<hbm>> -> memref<2x4096xf32, #tpu.memory_space<hbm>>
      tpu.enqueue_dma source(%arg9 : memref<2x4096xf32, #tpu.memory_space<vmem>>) target(%dma_start3A_137 : memref<2x4096xf32, #tpu.memory_space<hbm>>) target_semaphore(%arg21 : memref<!tpu.dma_semaphore, #tpu.memory_space<semaphore_mem>>)
      %add3A_138 = arith.constant 4 : i32
      %add3A_139 = arith.addi %add3A_115, %add3A_138 : i32
      %mul3A_140 = arith.constant 2 : i32
      %mul3A_141 = arith.muli %add3A_139, %mul3A_140 : i32
      %add3A_142 = arith.addi %mul3A_2, %mul3A_141 : i32
      %dma_start3A_143 = arith.constant 0 : i32
      %dma_start3A_144 = tpu.memref_slice %arg2[%add3A_142, %dma_start3A_143] : memref<16384x4096xf32, #tpu.memory_space<hbm>> -> memref<2x4096xf32, #tpu.memory_space<hbm>>
      %dma_start3A_145 = arith.constant 0 : i32
      %dma_start3A_146 = tpu.memref_slice %arg2[%add3A_142, %dma_start3A_145] : memref<16384x4096xf32, #tpu.memory_space<hbm>> -> memref<2x4096xf32, #tpu.memory_space<hbm>>
      tpu.enqueue_dma source(%dma_start3A_146 : memref<2x4096xf32, #tpu.memory_space<hbm>>) target(%arg5 : memref<2x4096xf32, #tpu.memory_space<vmem>>) target_semaphore(%arg17 : memref<!tpu.dma_semaphore, #tpu.memory_space<semaphore_mem>>)
      %mul3A_147 = arith.constant 8 : i32
      %mul3A_148 = arith.muli %mul3A_147, %scan3A_79 : i32
      %add3A_149 = arith.constant 2 : i32
      %add3A_150 = arith.addi %mul3A_148, %add3A_149 : i32
      %mul3A_151 = arith.constant 2 : i32
      %mul3A_152 = arith.muli %add3A_150, %mul3A_151 : i32
      %add3A_153 = arith.addi %mul3A_2, %mul3A_152 : i32
      %dma_wait3A_154 = arith.constant 0 : i32
      %dma_wait3A_155 = tpu.memref_slice %arg2[%add3A_153, %dma_wait3A_154] : memref<16384x4096xf32, #tpu.memory_space<hbm>> -> memref<2x4096xf32, #tpu.memory_space<hbm>>
      %dma_wait3A_156 = arith.constant 0 : i32
      %dma_wait3A_157 = tpu.memref_slice %arg2[%add3A_153, %dma_wait3A_156] : memref<16384x4096xf32, #tpu.memory_space<hbm>> -> memref<2x4096xf32, #tpu.memory_space<hbm>>
      tpu.wait_dma2 semaphore(%arg18 : memref<!tpu.dma_semaphore, #tpu.memory_space<semaphore_mem>>) src(%dma_wait3A_157 : memref<2x4096xf32, #tpu.memory_space<hbm>>) dst(%arg6 : memref<2x4096xf32, #tpu.memory_space<vmem>>)
      %gt3A_158 = arith.constant 0 : i32
      %gt3A_159 = arith.cmpi sgt, %scan3A_79, %gt3A_158 : i32
      %convert_element_type3A_160 = arith.extui %gt3A_159 : i1 to i32
      %cond3A_161 = arith.constant 0 : i32
      %cond3A_162 = arith.cmpi ne, %convert_element_type3A_160, %cond3A_161 : i32
      scf.if %cond3A_162 {
        %mul3A_341 = arith.constant 2 : i32
        %mul3A_342 = arith.muli %add3A_150, %mul3A_341 : i32
        %add3A_343 = arith.addi %mul3A_2, %mul3A_342 : i32
        %dma_wait3A_344 = arith.constant 0 : i32
        %dma_wait3A_345 = tpu.memref_slice %arg3[%add3A_343, %dma_wait3A_344] : memref<16384x4096xf32, #tpu.memory_space<hbm>> -> memref<2x4096xf32, #tpu.memory_space<hbm>>
        %dma_wait3A_346 = arith.constant 0 : i32
        %dma_wait3A_347 = tpu.memref_slice %arg3[%add3A_343, %dma_wait3A_346] : memref<16384x4096xf32, #tpu.memory_space<hbm>> -> memref<2x4096xf32, #tpu.memory_space<hbm>>
        tpu.wait_dma2 semaphore(%arg22 : memref<!tpu.dma_semaphore, #tpu.memory_space<semaphore_mem>>) src(%arg10 : memref<2x4096xf32, #tpu.memory_space<vmem>>) dst(%dma_wait3A_347 : memref<2x4096xf32, #tpu.memory_space<hbm>>)
      } else {
      }
      %parallel_loop3A_163 = arith.constant 0 : i32
      %parallel_loop3A_164 = arith.constant 4096 : i32
      %parallel_loop3A_165 = arith.constant 16 : i32
      scf.for %parallel_loop3A_341 = %parallel_loop3A_163 to %parallel_loop3A_164 step %parallel_loop3A_165  : i32 {
        %parallel_loop3A_342 = arith.constant 0 : i32
        %parallel_loop3A_343 = arith.index_cast %parallel_loop3A_342 : i32 to index
        %parallel_loop3A_344 = arith.index_cast %parallel_loop3A_341 : i32 to index
        %parallel_loop3A_345 = tpu.vector_load %arg6[%parallel_loop3A_343, %parallel_loop3A_344] {strides = array<i32>} : memref<2x4096xf32, #tpu.memory_space<vmem>>, vector<16xf32>,
        %parallel_loop3A_346 = arith.constant dense<true> : vector<16xi1>
        %parallel_loop3A_347, %parallel_loop3A_348, %parallel_loop3A_349 = tpu.sort %parallel_loop3A_345, %parallel_loop3A_345 masked %parallel_loop3A_346 : (vector<16xf32>, vector<16xf32>, vector<16xi1>) -> (vector<16xi1>, vector<16xf32>, vector<16xf32>)
        %parallel_loop3A_350 = arith.constant 0 : i32
        %parallel_loop3A_351 = arith.index_cast %parallel_loop3A_350 : i32 to index
        %parallel_loop3A_352 = arith.index_cast %parallel_loop3A_341 : i32 to index
        %parallel_loop3A_353 = tpu.vector_load %arg10[%parallel_loop3A_351, %parallel_loop3A_352] {strides = array<i32>} : memref<2x4096xf32, #tpu.memory_space<vmem>>, vector<16xf32>,
        tpu.vector_store %arg10[%parallel_loop3A_351, %parallel_loop3A_352], %parallel_loop3A_348 {strides = array<i32>} : memref<2x4096xf32, #tpu.memory_space<vmem>>, vector<16xf32>,
        %parallel_loop3A_354 = arith.constant 1 : i32
        %parallel_loop3A_355 = arith.index_cast %parallel_loop3A_354 : i32 to index
        %parallel_loop3A_356 = arith.index_cast %parallel_loop3A_341 : i32 to index
        %parallel_loop3A_357 = tpu.vector_load %arg6[%parallel_loop3A_355, %parallel_loop3A_356] {strides = array<i32>} : memref<2x4096xf32, #tpu.memory_space<vmem>>, vector<16xf32>,
        %parallel_loop3A_358 = arith.constant dense<true> : vector<16xi1>
        %parallel_loop3A_359, %parallel_loop3A_360, %parallel_loop3A_361 = tpu.sort %parallel_loop3A_357, %parallel_loop3A_357 masked %parallel_loop3A_358 : (vector<16xf32>, vector<16xf32>, vector<16xi1>) -> (vector<16xi1>, vector<16xf32>, vector<16xf32>)
        %parallel_loop3A_362 = arith.constant 1 : i32
        %parallel_loop3A_363 = arith.index_cast %parallel_loop3A_362 : i32 to index
        %parallel_loop3A_364 = arith.index_cast %parallel_loop3A_341 : i32 to index
        %parallel_loop3A_365 = tpu.vector_load %arg10[%parallel_loop3A_363, %parallel_loop3A_364] {strides = array<i32>} : memref<2x4096xf32, #tpu.memory_space<vmem>>, vector<16xf32>,
        tpu.vector_store %arg10[%parallel_loop3A_363, %parallel_loop3A_364], %parallel_loop3A_360 {strides = array<i32>} : memref<2x4096xf32, #tpu.memory_space<vmem>>, vector<16xf32>,
      } {sc.loop_unroll_factor = 2 : i64, sc.parallel_access}
      %mul3A_166 = arith.constant 2 : i32
      %mul3A_167 = arith.muli %add3A_150, %mul3A_166 : i32
      %add3A_168 = arith.addi %mul3A_2, %mul3A_167 : i32
      %dma_start3A_169 = arith.constant 0 : i32
      %dma_start3A_170 = tpu.memref_slice %arg3[%add3A_168, %dma_start3A_169] : memref<16384x4096xf32, #tpu.memory_space<hbm>> -> memref<2x4096xf32, #tpu.memory_space<hbm>>
      %dma_start3A_171 = arith.constant 0 : i32
      %dma_start3A_172 = tpu.memref_slice %arg3[%add3A_168, %dma_start3A_171] : memref<16384x4096xf32, #tpu.memory_space<hbm>> -> memref<2x4096xf32, #tpu.memory_space<hbm>>
      tpu.enqueue_dma source(%arg10 : memref<2x4096xf32, #tpu.memory_space<vmem>>) target(%dma_start3A_172 : memref<2x4096xf32, #tpu.memory_space<hbm>>) target_semaphore(%arg22 : memref<!tpu.dma_semaphore, #tpu.memory_space<semaphore_mem>>)
      %add3A_173 = arith.constant 4 : i32
      %add3A_174 = arith.addi %add3A_150, %add3A_173 : i32
      %mul3A_175 = arith.constant 2 : i32
      %mul3A_176 = arith.muli %add3A_174, %mul3A_175 : i32
      %add3A_177 = arith.addi %mul3A_2, %mul3A_176 : i32
      %dma_start3A_178 = arith.constant 0 : i32
      %dma_start3A_179 = tpu.memref_slice %arg2[%add3A_177, %dma_start3A_178] : memref<16384x4096xf32, #tpu.memory_space<hbm>> -> memref<2x4096xf32, #tpu.memory_space<hbm>>
      %dma_start3A_180 = arith.constant 0 : i32
      %dma_start3A_181 = tpu.memref_slice %arg2[%add3A_177, %dma_start3A_180] : memref<16384x4096xf32, #tpu.memory_space<hbm>> -> memref<2x4096xf32, #tpu.memory_space<hbm>>
      tpu.enqueue_dma source(%dma_start3A_181 : memref<2x4096xf32, #tpu.memory_space<hbm>>) target(%arg6 : memref<2x4096xf32, #tpu.memory_space<vmem>>) target_semaphore(%arg18 : memref<!tpu.dma_semaphore, #tpu.memory_space<semaphore_mem>>)
      %mul3A_182 = arith.constant 8 : i32
      %mul3A_183 = arith.muli %mul3A_182, %scan3A_79 : i32
      %add3A_184 = arith.constant 3 : i32
      %add3A_185 = arith.addi %mul3A_183, %add3A_184 : i32
      %mul3A_186 = arith.constant 2 : i32
      %mul3A_187 = arith.muli %add3A_185, %mul3A_186 : i32
      %add3A_188 = arith.addi %mul3A_2, %mul3A_187 : i32
      %dma_wait3A_189 = arith.constant 0 : i32
      %dma_wait3A_190 = tpu.memref_slice %arg2[%add3A_188, %dma_wait3A_189] : memref<16384x4096xf32, #tpu.memory_space<hbm>> -> memref<2x4096xf32, #tpu.memory_space<hbm>>
      %dma_wait3A_191 = arith.constant 0 : i32
      %dma_wait3A_192 = tpu.memref_slice %arg2[%add3A_188, %dma_wait3A_191] : memref<16384x4096xf32, #tpu.memory_space<hbm>> -> memref<2x4096xf32, #tpu.memory_space<hbm>>
      tpu.wait_dma2 semaphore(%arg19 : memref<!tpu.dma_semaphore, #tpu.memory_space<semaphore_mem>>) src(%dma_wait3A_192 : memref<2x4096xf32, #tpu.memory_space<hbm>>) dst(%arg7 : memref<2x4096xf32, #tpu.memory_space<vmem>>)
      %gt3A_193 = arith.constant 0 : i32
      %gt3A_194 = arith.cmpi sgt, %scan3A_79, %gt3A_193 : i32
      %convert_element_type3A_195 = arith.extui %gt3A_194 : i1 to i32
      %cond3A_196 = arith.constant 0 : i32
      %cond3A_197 = arith.cmpi ne, %convert_element_type3A_195, %cond3A_196 : i32
      scf.if %cond3A_197 {
        %mul3A_341 = arith.constant 2 : i32
        %mul3A_342 = arith.muli %add3A_185, %mul3A_341 : i32
        %add3A_343 = arith.addi %mul3A_2, %mul3A_342 : i32
        %dma_wait3A_344 = arith.constant 0 : i32
        %dma_wait3A_345 = tpu.memref_slice %arg3[%add3A_343, %dma_wait3A_344] : memref<16384x4096xf32, #tpu.memory_space<hbm>> -> memref<2x4096xf32, #tpu.memory_space<hbm>>
        %dma_wait3A_346 = arith.constant 0 : i32
        %dma_wait3A_347 = tpu.memref_slice %arg3[%add3A_343, %dma_wait3A_346] : memref<16384x4096xf32, #tpu.memory_space<hbm>> -> memref<2x4096xf32, #tpu.memory_space<hbm>>
        tpu.wait_dma2 semaphore(%arg23 : memref<!tpu.dma_semaphore, #tpu.memory_space<semaphore_mem>>) src(%arg11 : memref<2x4096xf32, #tpu.memory_space<vmem>>) dst(%dma_wait3A_347 : memref<2x4096xf32, #tpu.memory_space<hbm>>)
      } else {
      }
      %parallel_loop3A_198 = arith.constant 0 : i32
      %parallel_loop3A_199 = arith.constant 4096 : i32
      %parallel_loop3A_200 = arith.constant 16 : i32
      scf.for %parallel_loop3A_341 = %parallel_loop3A_198 to %parallel_loop3A_199 step %parallel_loop3A_200  : i32 {
        %parallel_loop3A_342 = arith.constant 0 : i32
        %parallel_loop3A_343 = arith.index_cast %parallel_loop3A_342 : i32 to index
        %parallel_loop3A_344 = arith.index_cast %parallel_loop3A_341 : i32 to index
        %parallel_loop3A_345 = tpu.vector_load %arg7[%parallel_loop3A_343, %parallel_loop3A_344] {strides = array<i32>} : memref<2x4096xf32, #tpu.memory_space<vmem>>, vector<16xf32>,
        %parallel_loop3A_346 = arith.constant dense<true> : vector<16xi1>
        %parallel_loop3A_347, %parallel_loop3A_348, %parallel_loop3A_349 = tpu.sort %parallel_loop3A_345, %parallel_loop3A_345 masked %parallel_loop3A_346 : (vector<16xf32>, vector<16xf32>, vector<16xi1>) -> (vector<16xi1>, vector<16xf32>, vector<16xf32>)
        %parallel_loop3A_350 = arith.constant 0 : i32
        %parallel_loop3A_351 = arith.index_cast %parallel_loop3A_350 : i32 to index
        %parallel_loop3A_352 = arith.index_cast %parallel_loop3A_341 : i32 to index
        %parallel_loop3A_353 = tpu.vector_load %arg11[%parallel_loop3A_351, %parallel_loop3A_352] {strides = array<i32>} : memref<2x4096xf32, #tpu.memory_space<vmem>>, vector<16xf32>,
        tpu.vector_store %arg11[%parallel_loop3A_351, %parallel_loop3A_352], %parallel_loop3A_348 {strides = array<i32>} : memref<2x4096xf32, #tpu.memory_space<vmem>>, vector<16xf32>,
        %parallel_loop3A_354 = arith.constant 1 : i32
        %parallel_loop3A_355 = arith.index_cast %parallel_loop3A_354 : i32 to index
        %parallel_loop3A_356 = arith.index_cast %parallel_loop3A_341 : i32 to index
        %parallel_loop3A_357 = tpu.vector_load %arg7[%parallel_loop3A_355, %parallel_loop3A_356] {strides = array<i32>} : memref<2x4096xf32, #tpu.memory_space<vmem>>, vector<16xf32>,
        %parallel_loop3A_358 = arith.constant dense<true> : vector<16xi1>
        %parallel_loop3A_359, %parallel_loop3A_360, %parallel_loop3A_361 = tpu.sort %parallel_loop3A_357, %parallel_loop3A_357 masked %parallel_loop3A_358 : (vector<16xf32>, vector<16xf32>, vector<16xi1>) -> (vector<16xi1>, vector<16xf32>, vector<16xf32>)
        %parallel_loop3A_362 = arith.constant 1 : i32
        %parallel_loop3A_363 = arith.index_cast %parallel_loop3A_362 : i32 to index
        %parallel_loop3A_364 = arith.index_cast %parallel_loop3A_341 : i32 to index
        %parallel_loop3A_365 = tpu.vector_load %arg11[%parallel_loop3A_363, %parallel_loop3A_364] {strides = array<i32>} : memref<2x4096xf32, #tpu.memory_space<vmem>>, vector<16xf32>,
        tpu.vector_store %arg11[%parallel_loop3A_363, %parallel_loop3A_364], %parallel_loop3A_360 {strides = array<i32>} : memref<2x4096xf32, #tpu.memory_space<vmem>>, vector<16xf32>,
      } {sc.loop_unroll_factor = 2 : i64, sc.parallel_access}
      %mul3A_201 = arith.constant 2 : i32
      %mul3A_202 = arith.muli %add3A_185, %mul3A_201 : i32
      %add3A_203 = arith.addi %mul3A_2, %mul3A_202 : i32
      %dma_start3A_204 = arith.constant 0 : i32
      %dma_start3A_205 = tpu.memref_slice %arg3[%add3A_203, %dma_start3A_204] : memref<16384x4096xf32, #tpu.memory_space<hbm>> -> memref<2x4096xf32, #tpu.memory_space<hbm>>
      %dma_start3A_206 = arith.constant 0 : i32
      %dma_start3A_207 = tpu.memref_slice %arg3[%add3A_203, %dma_start3A_206] : memref<16384x4096xf32, #tpu.memory_space<hbm>> -> memref<2x4096xf32, #tpu.memory_space<hbm>>
      tpu.enqueue_dma source(%arg11 : memref<2x4096xf32, #tpu.memory_space<vmem>>) target(%dma_start3A_207 : memref<2x4096xf32, #tpu.memory_space<hbm>>) target_semaphore(%arg23 : memref<!tpu.dma_semaphore, #tpu.memory_space<semaphore_mem>>)
      %add3A_208 = arith.constant 4 : i32
      %add3A_209 = arith.addi %add3A_185, %add3A_208 : i32
      %mul3A_210 = arith.constant 2 : i32
      %mul3A_211 = arith.muli %add3A_209, %mul3A_210 : i32
      %add3A_212 = arith.addi %mul3A_2, %mul3A_211 : i32
      %dma_start3A_213 = arith.constant 0 : i32
      %dma_start3A_214 = tpu.memref_slice %arg2[%add3A_212, %dma_start3A_213] : memref<16384x4096xf32, #tpu.memory_space<hbm>> -> memref<2x4096xf32, #tpu.memory_space<hbm>>
      %dma_start3A_215 = arith.constant 0 : i32
      %dma_start3A_216 = tpu.memref_slice %arg2[%add3A_212, %dma_start3A_215] : memref<16384x4096xf32, #tpu.memory_space<hbm>> -> memref<2x4096xf32, #tpu.memory_space<hbm>>
      tpu.enqueue_dma source(%dma_start3A_216 : memref<2x4096xf32, #tpu.memory_space<hbm>>) target(%arg7 : memref<2x4096xf32, #tpu.memory_space<vmem>>) target_semaphore(%arg19 : memref<!tpu.dma_semaphore, #tpu.memory_space<semaphore_mem>>)
      %mul3A_217 = arith.constant 8 : i32
      %mul3A_218 = arith.muli %mul3A_217, %scan3A_79 : i32
      %add3A_219 = arith.constant 4 : i32
      %add3A_220 = arith.addi %mul3A_218, %add3A_219 : i32
      %mul3A_221 = arith.constant 2 : i32
      %mul3A_222 = arith.muli %add3A_220, %mul3A_221 : i32
      %add3A_223 = arith.addi %mul3A_2, %mul3A_222 : i32
      %dma_wait3A_224 = arith.constant 0 : i32
      %dma_wait3A_225 = tpu.memref_slice %arg2[%add3A_223, %dma_wait3A_224] : memref<16384x4096xf32, #tpu.memory_space<hbm>> -> memref<2x4096xf32, #tpu.memory_space<hbm>>
      %dma_wait3A_226 = arith.constant 0 : i32
      %dma_wait3A_227 = tpu.memref_slice %arg2[%add3A_223, %dma_wait3A_226] : memref<16384x4096xf32, #tpu.memory_space<hbm>> -> memref<2x4096xf32, #tpu.memory_space<hbm>>
      tpu.wait_dma2 semaphore(%arg16 : memref<!tpu.dma_semaphore, #tpu.memory_space<semaphore_mem>>) src(%dma_wait3A_227 : memref<2x4096xf32, #tpu.memory_space<hbm>>) dst(%arg4 : memref<2x4096xf32, #tpu.memory_space<vmem>>)
      %gt3A_228 = arith.constant 0 : i32
      %gt3A_229 = arith.cmpi sgt, %scan3A_79, %gt3A_228 : i32
      %convert_element_type3A_230 = arith.extui %gt3A_229 : i1 to i32
      %cond3A_231 = arith.constant 0 : i32
      %cond3A_232 = arith.cmpi ne, %convert_element_type3A_230, %cond3A_231 : i32
      scf.if %cond3A_232 {
        %mul3A_341 = arith.constant 2 : i32
        %mul3A_342 = arith.muli %add3A_220, %mul3A_341 : i32
        %add3A_343 = arith.addi %mul3A_2, %mul3A_342 : i32
        %dma_wait3A_344 = arith.constant 0 : i32
        %dma_wait3A_345 = tpu.memref_slice %arg3[%add3A_343, %dma_wait3A_344] : memref<16384x4096xf32, #tpu.memory_space<hbm>> -> memref<2x4096xf32, #tpu.memory_space<hbm>>
        %dma_wait3A_346 = arith.constant 0 : i32
        %dma_wait3A_347 = tpu.memref_slice %arg3[%add3A_343, %dma_wait3A_346] : memref<16384x4096xf32, #tpu.memory_space<hbm>> -> memref<2x4096xf32, #tpu.memory_space<hbm>>
        tpu.wait_dma2 semaphore(%arg24 : memref<!tpu.dma_semaphore, #tpu.memory_space<semaphore_mem>>) src(%arg12 : memref<2x4096xf32, #tpu.memory_space<vmem>>) dst(%dma_wait3A_347 : memref<2x4096xf32, #tpu.memory_space<hbm>>)
      } else {
      }
      %parallel_loop3A_233 = arith.constant 0 : i32
      %parallel_loop3A_234 = arith.constant 4096 : i32
      %parallel_loop3A_235 = arith.constant 16 : i32
      scf.for %parallel_loop3A_341 = %parallel_loop3A_233 to %parallel_loop3A_234 step %parallel_loop3A_235  : i32 {
        %parallel_loop3A_342 = arith.constant 0 : i32
        %parallel_loop3A_343 = arith.index_cast %parallel_loop3A_342 : i32 to index
        %parallel_loop3A_344 = arith.index_cast %parallel_loop3A_341 : i32 to index
        %parallel_loop3A_345 = tpu.vector_load %arg4[%parallel_loop3A_343, %parallel_loop3A_344] {strides = array<i32>} : memref<2x4096xf32, #tpu.memory_space<vmem>>, vector<16xf32>,
        %parallel_loop3A_346 = arith.constant dense<true> : vector<16xi1>
        %parallel_loop3A_347, %parallel_loop3A_348, %parallel_loop3A_349 = tpu.sort %parallel_loop3A_345, %parallel_loop3A_345 masked %parallel_loop3A_346 : (vector<16xf32>, vector<16xf32>, vector<16xi1>) -> (vector<16xi1>, vector<16xf32>, vector<16xf32>)
        %parallel_loop3A_350 = arith.constant 0 : i32
        %parallel_loop3A_351 = arith.index_cast %parallel_loop3A_350 : i32 to index
        %parallel_loop3A_352 = arith.index_cast %parallel_loop3A_341 : i32 to index
        %parallel_loop3A_353 = tpu.vector_load %arg12[%parallel_loop3A_351, %parallel_loop3A_352] {strides = array<i32>} : memref<2x4096xf32, #tpu.memory_space<vmem>>, vector<16xf32>,
        tpu.vector_store %arg12[%parallel_loop3A_351, %parallel_loop3A_352], %parallel_loop3A_348 {strides = array<i32>} : memref<2x4096xf32, #tpu.memory_space<vmem>>, vector<16xf32>,
        %parallel_loop3A_354 = arith.constant 1 : i32
        %parallel_loop3A_355 = arith.index_cast %parallel_loop3A_354 : i32 to index
        %parallel_loop3A_356 = arith.index_cast %parallel_loop3A_341 : i32 to index
        %parallel_loop3A_357 = tpu.vector_load %arg4[%parallel_loop3A_355, %parallel_loop3A_356] {strides = array<i32>} : memref<2x4096xf32, #tpu.memory_space<vmem>>, vector<16xf32>,
        %parallel_loop3A_358 = arith.constant dense<true> : vector<16xi1>
        %parallel_loop3A_359, %parallel_loop3A_360, %parallel_loop3A_361 = tpu.sort %parallel_loop3A_357, %parallel_loop3A_357 masked %parallel_loop3A_358 : (vector<16xf32>, vector<16xf32>, vector<16xi1>) -> (vector<16xi1>, vector<16xf32>, vector<16xf32>)
        %parallel_loop3A_362 = arith.constant 1 : i32
        %parallel_loop3A_363 = arith.index_cast %parallel_loop3A_362 : i32 to index
        %parallel_loop3A_364 = arith.index_cast %parallel_loop3A_341 : i32 to index
        %parallel_loop3A_365 = tpu.vector_load %arg12[%parallel_loop3A_363, %parallel_loop3A_364] {strides = array<i32>} : memref<2x4096xf32, #tpu.memory_space<vmem>>, vector<16xf32>,
        tpu.vector_store %arg12[%parallel_loop3A_363, %parallel_loop3A_364], %parallel_loop3A_360 {strides = array<i32>} : memref<2x4096xf32, #tpu.memory_space<vmem>>, vector<16xf32>,
      } {sc.loop_unroll_factor = 2 : i64, sc.parallel_access}
      %mul3A_236 = arith.constant 2 : i32
      %mul3A_237 = arith.muli %add3A_220, %mul3A_236 : i32
      %add3A_238 = arith.addi %mul3A_2, %mul3A_237 : i32
      %dma_start3A_239 = arith.constant 0 : i32
      %dma_start3A_240 = tpu.memref_slice %arg3[%add3A_238, %dma_start3A_239] : memref<16384x4096xf32, #tpu.memory_space<hbm>> -> memref<2x4096xf32, #tpu.memory_space<hbm>>
      %dma_start3A_241 = arith.constant 0 : i32
      %dma_start3A_242 = tpu.memref_slice %arg3[%add3A_238, %dma_start3A_241] : memref<16384x4096xf32, #tpu.memory_space<hbm>> -> memref<2x4096xf32, #tpu.memory_space<hbm>>
      tpu.enqueue_dma source(%arg12 : memref<2x4096xf32, #tpu.memory_space<vmem>>) target(%dma_start3A_242 : memref<2x4096xf32, #tpu.memory_space<hbm>>) target_semaphore(%arg24 : memref<!tpu.dma_semaphore, #tpu.memory_space<semaphore_mem>>)
      %lt3A = arith.constant 31 : i32
      %lt3A_243 = arith.cmpi slt, %scan3A_79, %lt3A : i32
      %convert_element_type3A_244 = arith.extui %lt3A_243 : i1 to i32
      %cond3A_245 = arith.constant 0 : i32
      %cond3A_246 = arith.cmpi ne, %convert_element_type3A_244, %cond3A_245 : i32
      scf.if %cond3A_246 {
        %add3A_341 = arith.constant 4 : i32
        %add3A_342 = arith.addi %add3A_220, %add3A_341 : i32
        %mul3A_343 = arith.constant 2 : i32
        %mul3A_344 = arith.muli %add3A_342, %mul3A_343 : i32
        %add3A_345 = arith.addi %mul3A_2, %mul3A_344 : i32
        %dma_start3A_346 = arith.constant 0 : i32
        %dma_start3A_347 = tpu.memref_slice %arg2[%add3A_345, %dma_start3A_346] : memref<16384x4096xf32, #tpu.memory_space<hbm>> -> memref<2x4096xf32, #tpu.memory_space<hbm>>
        %dma_start3A_348 = arith.constant 0 : i32
        %dma_start3A_349 = tpu.memref_slice %arg2[%add3A_345, %dma_start3A_348] : memref<16384x4096xf32, #tpu.memory_space<hbm>> -> memref<2x4096xf32, #tpu.memory_space<hbm>>
        tpu.enqueue_dma source(%dma_start3A_349 : memref<2x4096xf32, #tpu.memory_space<hbm>>) target(%arg4 : memref<2x4096xf32, #tpu.memory_space<vmem>>) target_semaphore(%arg16 : memref<!tpu.dma_semaphore, #tpu.memory_space<semaphore_mem>>)
      } else {
      }
      %mul3A_247 = arith.constant 8 : i32
      %mul3A_248 = arith.muli %mul3A_247, %scan3A_79 : i32
      %add3A_249 = arith.constant 5 : i32
      %add3A_250 = arith.addi %mul3A_248, %add3A_249 : i32
      %mul3A_251 = arith.constant 2 : i32
      %mul3A_252 = arith.muli %add3A_250, %mul3A_251 : i32
      %add3A_253 = arith.addi %mul3A_2, %mul3A_252 : i32
      %dma_wait3A_254 = arith.constant 0 : i32
      %dma_wait3A_255 = tpu.memref_slice %arg2[%add3A_253, %dma_wait3A_254] : memref<16384x4096xf32, #tpu.memory_space<hbm>> -> memref<2x4096xf32, #tpu.memory_space<hbm>>
      %dma_wait3A_256 = arith.constant 0 : i32
      %dma_wait3A_257 = tpu.memref_slice %arg2[%add3A_253, %dma_wait3A_256] : memref<16384x4096xf32, #tpu.memory_space<hbm>> -> memref<2x4096xf32, #tpu.memory_space<hbm>>
      tpu.wait_dma2 semaphore(%arg17 : memref<!tpu.dma_semaphore, #tpu.memory_space<semaphore_mem>>) src(%dma_wait3A_257 : memref<2x4096xf32, #tpu.memory_space<hbm>>) dst(%arg5 : memref<2x4096xf32, #tpu.memory_space<vmem>>)
      %gt3A_258 = arith.constant 0 : i32
      %gt3A_259 = arith.cmpi sgt, %scan3A_79, %gt3A_258 : i32
      %convert_element_type3A_260 = arith.extui %gt3A_259 : i1 to i32
      %cond3A_261 = arith.constant 0 : i32
      %cond3A_262 = arith.cmpi ne, %convert_element_type3A_260, %cond3A_261 : i32
      scf.if %cond3A_262 {
        %mul3A_341 = arith.constant 2 : i32
        %mul3A_342 = arith.muli %add3A_250, %mul3A_341 : i32
        %add3A_343 = arith.addi %mul3A_2, %mul3A_342 : i32
        %dma_wait3A_344 = arith.constant 0 : i32
        %dma_wait3A_345 = tpu.memref_slice %arg3[%add3A_343, %dma_wait3A_344] : memref<16384x4096xf32, #tpu.memory_space<hbm>> -> memref<2x4096xf32, #tpu.memory_space<hbm>>
        %dma_wait3A_346 = arith.constant 0 : i32
        %dma_wait3A_347 = tpu.memref_slice %arg3[%add3A_343, %dma_wait3A_346] : memref<16384x4096xf32, #tpu.memory_space<hbm>> -> memref<2x4096xf32, #tpu.memory_space<hbm>>
        tpu.wait_dma2 semaphore(%arg25 : memref<!tpu.dma_semaphore, #tpu.memory_space<semaphore_mem>>) src(%arg13 : memref<2x4096xf32, #tpu.memory_space<vmem>>) dst(%dma_wait3A_347 : memref<2x4096xf32, #tpu.memory_space<hbm>>)
      } else {
      }
      %parallel_loop3A_263 = arith.constant 0 : i32
      %parallel_loop3A_264 = arith.constant 4096 : i32
      %parallel_loop3A_265 = arith.constant 16 : i32
      scf.for %parallel_loop3A_341 = %parallel_loop3A_263 to %parallel_loop3A_264 step %parallel_loop3A_265  : i32 {
        %parallel_loop3A_342 = arith.constant 0 : i32
        %parallel_loop3A_343 = arith.index_cast %parallel_loop3A_342 : i32 to index
        %parallel_loop3A_344 = arith.index_cast %parallel_loop3A_341 : i32 to index
        %parallel_loop3A_345 = tpu.vector_load %arg5[%parallel_loop3A_343, %parallel_loop3A_344] {strides = array<i32>} : memref<2x4096xf32, #tpu.memory_space<vmem>>, vector<16xf32>,
        %parallel_loop3A_346 = arith.constant dense<true> : vector<16xi1>
        %parallel_loop3A_347, %parallel_loop3A_348, %parallel_loop3A_349 = tpu.sort %parallel_loop3A_345, %parallel_loop3A_345 masked %parallel_loop3A_346 : (vector<16xf32>, vector<16xf32>, vector<16xi1>) -> (vector<16xi1>, vector<16xf32>, vector<16xf32>)
        %parallel_loop3A_350 = arith.constant 0 : i32
        %parallel_loop3A_351 = arith.index_cast %parallel_loop3A_350 : i32 to index
        %parallel_loop3A_352 = arith.index_cast %parallel_loop3A_341 : i32 to index
        %parallel_loop3A_353 = tpu.vector_load %arg13[%parallel_loop3A_351, %parallel_loop3A_352] {strides = array<i32>} : memref<2x4096xf32, #tpu.memory_space<vmem>>, vector<16xf32>,
        tpu.vector_store %arg13[%parallel_loop3A_351, %parallel_loop3A_352], %parallel_loop3A_348 {strides = array<i32>} : memref<2x4096xf32, #tpu.memory_space<vmem>>, vector<16xf32>,
        %parallel_loop3A_354 = arith.constant 1 : i32
        %parallel_loop3A_355 = arith.index_cast %parallel_loop3A_354 : i32 to index
        %parallel_loop3A_356 = arith.index_cast %parallel_loop3A_341 : i32 to index
        %parallel_loop3A_357 = tpu.vector_load %arg5[%parallel_loop3A_355, %parallel_loop3A_356] {strides = array<i32>} : memref<2x4096xf32, #tpu.memory_space<vmem>>, vector<16xf32>,
        %parallel_loop3A_358 = arith.constant dense<true> : vector<16xi1>
        %parallel_loop3A_359, %parallel_loop3A_360, %parallel_loop3A_361 = tpu.sort %parallel_loop3A_357, %parallel_loop3A_357 masked %parallel_loop3A_358 : (vector<16xf32>, vector<16xf32>, vector<16xi1>) -> (vector<16xi1>, vector<16xf32>, vector<16xf32>)
        %parallel_loop3A_362 = arith.constant 1 : i32
        %parallel_loop3A_363 = arith.index_cast %parallel_loop3A_362 : i32 to index
        %parallel_loop3A_364 = arith.index_cast %parallel_loop3A_341 : i32 to index
        %parallel_loop3A_365 = tpu.vector_load %arg13[%parallel_loop3A_363, %parallel_loop3A_364] {strides = array<i32>} : memref<2x4096xf32, #tpu.memory_space<vmem>>, vector<16xf32>,
        tpu.vector_store %arg13[%parallel_loop3A_363, %parallel_loop3A_364], %parallel_loop3A_360 {strides = array<i32>} : memref<2x4096xf32, #tpu.memory_space<vmem>>, vector<16xf32>,
      } {sc.loop_unroll_factor = 2 : i64, sc.parallel_access}
      %mul3A_266 = arith.constant 2 : i32
      %mul3A_267 = arith.muli %add3A_250, %mul3A_266 : i32
      %add3A_268 = arith.addi %mul3A_2, %mul3A_267 : i32
      %dma_start3A_269 = arith.constant 0 : i32
      %dma_start3A_270 = tpu.memref_slice %arg3[%add3A_268, %dma_start3A_269] : memref<16384x4096xf32, #tpu.memory_space<hbm>> -> memref<2x4096xf32, #tpu.memory_space<hbm>>
      %dma_start3A_271 = arith.constant 0 : i32
      %dma_start3A_272 = tpu.memref_slice %arg3[%add3A_268, %dma_start3A_271] : memref<16384x4096xf32, #tpu.memory_space<hbm>> -> memref<2x4096xf32, #tpu.memory_space<hbm>>
      tpu.enqueue_dma source(%arg13 : memref<2x4096xf32, #tpu.memory_space<vmem>>) target(%dma_start3A_272 : memref<2x4096xf32, #tpu.memory_space<hbm>>) target_semaphore(%arg25 : memref<!tpu.dma_semaphore, #tpu.memory_space<semaphore_mem>>)
      %lt3A_273 = arith.constant 31 : i32
      %lt3A_274 = arith.cmpi slt, %scan3A_79, %lt3A_273 : i32
      %convert_element_type3A_275 = arith.extui %lt3A_274 : i1 to i32
      %cond3A_276 = arith.constant 0 : i32
      %cond3A_277 = arith.cmpi ne, %convert_element_type3A_275, %cond3A_276 : i32
      scf.if %cond3A_277 {
        %add3A_341 = arith.constant 4 : i32
        %add3A_342 = arith.addi %add3A_250, %add3A_341 : i32
        %mul3A_343 = arith.constant 2 : i32
        %mul3A_344 = arith.muli %add3A_342, %mul3A_343 : i32
        %add3A_345 = arith.addi %mul3A_2, %mul3A_344 : i32
        %dma_start3A_346 = arith.constant 0 : i32
        %dma_start3A_347 = tpu.memref_slice %arg2[%add3A_345, %dma_start3A_346] : memref<16384x4096xf32, #tpu.memory_space<hbm>> -> memref<2x4096xf32, #tpu.memory_space<hbm>>
        %dma_start3A_348 = arith.constant 0 : i32
        %dma_start3A_349 = tpu.memref_slice %arg2[%add3A_345, %dma_start3A_348] : memref<16384x4096xf32, #tpu.memory_space<hbm>> -> memref<2x4096xf32, #tpu.memory_space<hbm>>
        tpu.enqueue_dma source(%dma_start3A_349 : memref<2x4096xf32, #tpu.memory_space<hbm>>) target(%arg5 : memref<2x4096xf32, #tpu.memory_space<vmem>>) target_semaphore(%arg17 : memref<!tpu.dma_semaphore, #tpu.memory_space<semaphore_mem>>)
      } else {
      }
      %mul3A_278 = arith.constant 8 : i32
      %mul3A_279 = arith.muli %mul3A_278, %scan3A_79 : i32
      %add3A_280 = arith.constant 6 : i32
      %add3A_281 = arith.addi %mul3A_279, %add3A_280 : i32
      %mul3A_282 = arith.constant 2 : i32
      %mul3A_283 = arith.muli %add3A_281, %mul3A_282 : i32
      %add3A_284 = arith.addi %mul3A_2, %mul3A_283 : i32
      %dma_wait3A_285 = arith.constant 0 : i32
      %dma_wait3A_286 = tpu.memref_slice %arg2[%add3A_284, %dma_wait3A_285] : memref<16384x4096xf32, #tpu.memory_space<hbm>> -> memref<2x4096xf32, #tpu.memory_space<hbm>>
      %dma_wait3A_287 = arith.constant 0 : i32
      %dma_wait3A_288 = tpu.memref_slice %arg2[%add3A_284, %dma_wait3A_287] : memref<16384x4096xf32, #tpu.memory_space<hbm>> -> memref<2x4096xf32, #tpu.memory_space<hbm>>
      tpu.wait_dma2 semaphore(%arg18 : memref<!tpu.dma_semaphore, #tpu.memory_space<semaphore_mem>>) src(%dma_wait3A_288 : memref<2x4096xf32, #tpu.memory_space<hbm>>) dst(%arg6 : memref<2x4096xf32, #tpu.memory_space<vmem>>)
      %gt3A_289 = arith.constant 0 : i32
      %gt3A_290 = arith.cmpi sgt, %scan3A_79, %gt3A_289 : i32
      %convert_element_type3A_291 = arith.extui %gt3A_290 : i1 to i32
      %cond3A_292 = arith.constant 0 : i32
      %cond3A_293 = arith.cmpi ne, %convert_element_type3A_291, %cond3A_292 : i32
      scf.if %cond3A_293 {
        %mul3A_341 = arith.constant 2 : i32
        %mul3A_342 = arith.muli %add3A_281, %mul3A_341 : i32
        %add3A_343 = arith.addi %mul3A_2, %mul3A_342 : i32
        %dma_wait3A_344 = arith.constant 0 : i32
        %dma_wait3A_345 = tpu.memref_slice %arg3[%add3A_343, %dma_wait3A_344] : memref<16384x4096xf32, #tpu.memory_space<hbm>> -> memref<2x4096xf32, #tpu.memory_space<hbm>>
        %dma_wait3A_346 = arith.constant 0 : i32
        %dma_wait3A_347 = tpu.memref_slice %arg3[%add3A_343, %dma_wait3A_346] : memref<16384x4096xf32, #tpu.memory_space<hbm>> -> memref<2x4096xf32, #tpu.memory_space<hbm>>
        tpu.wait_dma2 semaphore(%arg26 : memref<!tpu.dma_semaphore, #tpu.memory_space<semaphore_mem>>) src(%arg14 : memref<2x4096xf32, #tpu.memory_space<vmem>>) dst(%dma_wait3A_347 : memref<2x4096xf32, #tpu.memory_space<hbm>>)
      } else {
      }
      %parallel_loop3A_294 = arith.constant 0 : i32
      %parallel_loop3A_295 = arith.constant 4096 : i32
      %parallel_loop3A_296 = arith.constant 16 : i32
      scf.for %parallel_loop3A_341 = %parallel_loop3A_294 to %parallel_loop3A_295 step %parallel_loop3A_296  : i32 {
        %parallel_loop3A_342 = arith.constant 0 : i32
        %parallel_loop3A_343 = arith.index_cast %parallel_loop3A_342 : i32 to index
        %parallel_loop3A_344 = arith.index_cast %parallel_loop3A_341 : i32 to index
        %parallel_loop3A_345 = tpu.vector_load %arg6[%parallel_loop3A_343, %parallel_loop3A_344] {strides = array<i32>} : memref<2x4096xf32, #tpu.memory_space<vmem>>, vector<16xf32>,
        %parallel_loop3A_346 = arith.constant dense<true> : vector<16xi1>
        %parallel_loop3A_347, %parallel_loop3A_348, %parallel_loop3A_349 = tpu.sort %parallel_loop3A_345, %parallel_loop3A_345 masked %parallel_loop3A_346 : (vector<16xf32>, vector<16xf32>, vector<16xi1>) -> (vector<16xi1>, vector<16xf32>, vector<16xf32>)
        %parallel_loop3A_350 = arith.constant 0 : i32
        %parallel_loop3A_351 = arith.index_cast %parallel_loop3A_350 : i32 to index
        %parallel_loop3A_352 = arith.index_cast %parallel_loop3A_341 : i32 to index
        %parallel_loop3A_353 = tpu.vector_load %arg14[%parallel_loop3A_351, %parallel_loop3A_352] {strides = array<i32>} : memref<2x4096xf32, #tpu.memory_space<vmem>>, vector<16xf32>,
        tpu.vector_store %arg14[%parallel_loop3A_351, %parallel_loop3A_352], %parallel_loop3A_348 {strides = array<i32>} : memref<2x4096xf32, #tpu.memory_space<vmem>>, vector<16xf32>,
        %parallel_loop3A_354 = arith.constant 1 : i32
        %parallel_loop3A_355 = arith.index_cast %parallel_loop3A_354 : i32 to index
        %parallel_loop3A_356 = arith.index_cast %parallel_loop3A_341 : i32 to index
        %parallel_loop3A_357 = tpu.vector_load %arg6[%parallel_loop3A_355, %parallel_loop3A_356] {strides = array<i32>} : memref<2x4096xf32, #tpu.memory_space<vmem>>, vector<16xf32>,
        %parallel_loop3A_358 = arith.constant dense<true> : vector<16xi1>
        %parallel_loop3A_359, %parallel_loop3A_360, %parallel_loop3A_361 = tpu.sort %parallel_loop3A_357, %parallel_loop3A_357 masked %parallel_loop3A_358 : (vector<16xf32>, vector<16xf32>, vector<16xi1>) -> (vector<16xi1>, vector<16xf32>, vector<16xf32>)
        %parallel_loop3A_362 = arith.constant 1 : i32
        %parallel_loop3A_363 = arith.index_cast %parallel_loop3A_362 : i32 to index
        %parallel_loop3A_364 = arith.index_cast %parallel_loop3A_341 : i32 to index
        %parallel_loop3A_365 = tpu.vector_load %arg14[%parallel_loop3A_363, %parallel_loop3A_364] {strides = array<i32>} : memref<2x4096xf32, #tpu.memory_space<vmem>>, vector<16xf32>,
        tpu.vector_store %arg14[%parallel_loop3A_363, %parallel_loop3A_364], %parallel_loop3A_360 {strides = array<i32>} : memref<2x4096xf32, #tpu.memory_space<vmem>>, vector<16xf32>,
      } {sc.loop_unroll_factor = 2 : i64, sc.parallel_access}
      %mul3A_297 = arith.constant 2 : i32
      %mul3A_298 = arith.muli %add3A_281, %mul3A_297 : i32
      %add3A_299 = arith.addi %mul3A_2, %mul3A_298 : i32
      %dma_start3A_300 = arith.constant 0 : i32
      %dma_start3A_301 = tpu.memref_slice %arg3[%add3A_299, %dma_start3A_300] : memref<16384x4096xf32, #tpu.memory_space<hbm>> -> memref<2x4096xf32, #tpu.memory_space<hbm>>
      %dma_start3A_302 = arith.constant 0 : i32
      %dma_start3A_303 = tpu.memref_slice %arg3[%add3A_299, %dma_start3A_302] : memref<16384x4096xf32, #tpu.memory_space<hbm>> -> memref<2x4096xf32, #tpu.memory_space<hbm>>
      tpu.enqueue_dma source(%arg14 : memref<2x4096xf32, #tpu.memory_space<vmem>>) target(%dma_start3A_303 : memref<2x4096xf32, #tpu.memory_space<hbm>>) target_semaphore(%arg26 : memref<!tpu.dma_semaphore, #tpu.memory_space<semaphore_mem>>)
      %lt3A_304 = arith.constant 31 : i32
      %lt3A_305 = arith.cmpi slt, %scan3A_79, %lt3A_304 : i32
      %convert_element_type3A_306 = arith.extui %lt3A_305 : i1 to i32
      %cond3A_307 = arith.constant 0 : i32
      %cond3A_308 = arith.cmpi ne, %convert_element_type3A_306, %cond3A_307 : i32
      scf.if %cond3A_308 {
        %add3A_341 = arith.constant 4 : i32
        %add3A_342 = arith.addi %add3A_281, %add3A_341 : i32
        %mul3A_343 = arith.constant 2 : i32
        %mul3A_344 = arith.muli %add3A_342, %mul3A_343 : i32
        %add3A_345 = arith.addi %mul3A_2, %mul3A_344 : i32
        %dma_start3A_346 = arith.constant 0 : i32
        %dma_start3A_347 = tpu.memref_slice %arg2[%add3A_345, %dma_start3A_346] : memref<16384x4096xf32, #tpu.memory_space<hbm>> -> memref<2x4096xf32, #tpu.memory_space<hbm>>
        %dma_start3A_348 = arith.constant 0 : i32
        %dma_start3A_349 = tpu.memref_slice %arg2[%add3A_345, %dma_start3A_348] : memref<16384x4096xf32, #tpu.memory_space<hbm>> -> memref<2x4096xf32, #tpu.memory_space<hbm>>
        tpu.enqueue_dma source(%dma_start3A_349 : memref<2x4096xf32, #tpu.memory_space<hbm>>) target(%arg6 : memref<2x4096xf32, #tpu.memory_space<vmem>>) target_semaphore(%arg18 : memref<!tpu.dma_semaphore, #tpu.memory_space<semaphore_mem>>)
      } else {
      }
      %mul3A_309 = arith.constant 8 : i32
      %mul3A_310 = arith.muli %mul3A_309, %scan3A_79 : i32
      %add3A_311 = arith.constant 7 : i32
      %add3A_312 = arith.addi %mul3A_310, %add3A_311 : i32
      %mul3A_313 = arith.constant 2 : i32
      %mul3A_314 = arith.muli %add3A_312, %mul3A_313 : i32
      %add3A_315 = arith.addi %mul3A_2, %mul3A_314 : i32
      %dma_wait3A_316 = arith.constant 0 : i32
      %dma_wait3A_317 = tpu.memref_slice %arg2[%add3A_315, %dma_wait3A_316] : memref<16384x4096xf32, #tpu.memory_space<hbm>> -> memref<2x4096xf32, #tpu.memory_space<hbm>>
      %dma_wait3A_318 = arith.constant 0 : i32
      %dma_wait3A_319 = tpu.memref_slice %arg2[%add3A_315, %dma_wait3A_318] : memref<16384x4096xf32, #tpu.memory_space<hbm>> -> memref<2x4096xf32, #tpu.memory_space<hbm>>
      tpu.wait_dma2 semaphore(%arg19 : memref<!tpu.dma_semaphore, #tpu.memory_space<semaphore_mem>>) src(%dma_wait3A_319 : memref<2x4096xf32, #tpu.memory_space<hbm>>) dst(%arg7 : memref<2x4096xf32, #tpu.memory_space<vmem>>)
      %gt3A_320 = arith.constant 0 : i32
      %gt3A_321 = arith.cmpi sgt, %scan3A_79, %gt3A_320 : i32
      %convert_element_type3A_322 = arith.extui %gt3A_321 : i1 to i32
      %cond3A_323 = arith.constant 0 : i32
      %cond3A_324 = arith.cmpi ne, %convert_element_type3A_322, %cond3A_323 : i32
      scf.if %cond3A_324 {
        %mul3A_341 = arith.constant 2 : i32
        %mul3A_342 = arith.muli %add3A_312, %mul3A_341 : i32
        %add3A_343 = arith.addi %mul3A_2, %mul3A_342 : i32
        %dma_wait3A_344 = arith.constant 0 : i32
        %dma_wait3A_345 = tpu.memref_slice %arg3[%add3A_343, %dma_wait3A_344] : memref<16384x4096xf32, #tpu.memory_space<hbm>> -> memref<2x4096xf32, #tpu.memory_space<hbm>>
        %dma_wait3A_346 = arith.constant 0 : i32
        %dma_wait3A_347 = tpu.memref_slice %arg3[%add3A_343, %dma_wait3A_346] : memref<16384x4096xf32, #tpu.memory_space<hbm>> -> memref<2x4096xf32, #tpu.memory_space<hbm>>
        tpu.wait_dma2 semaphore(%arg27 : memref<!tpu.dma_semaphore, #tpu.memory_space<semaphore_mem>>) src(%arg15 : memref<2x4096xf32, #tpu.memory_space<vmem>>) dst(%dma_wait3A_347 : memref<2x4096xf32, #tpu.memory_space<hbm>>)
      } else {
      }
      %parallel_loop3A_325 = arith.constant 0 : i32
      %parallel_loop3A_326 = arith.constant 4096 : i32
      %parallel_loop3A_327 = arith.constant 16 : i32
      scf.for %parallel_loop3A_341 = %parallel_loop3A_325 to %parallel_loop3A_326 step %parallel_loop3A_327  : i32 {
        %parallel_loop3A_342 = arith.constant 0 : i32
        %parallel_loop3A_343 = arith.index_cast %parallel_loop3A_342 : i32 to index
        %parallel_loop3A_344 = arith.index_cast %parallel_loop3A_341 : i32 to index
        %parallel_loop3A_345 = tpu.vector_load %arg7[%parallel_loop3A_343, %parallel_loop3A_344] {strides = array<i32>} : memref<2x4096xf32, #tpu.memory_space<vmem>>, vector<16xf32>,
        %parallel_loop3A_346 = arith.constant dense<true> : vector<16xi1>
        %parallel_loop3A_347, %parallel_loop3A_348, %parallel_loop3A_349 = tpu.sort %parallel_loop3A_345, %parallel_loop3A_345 masked %parallel_loop3A_346 : (vector<16xf32>, vector<16xf32>, vector<16xi1>) -> (vector<16xi1>, vector<16xf32>, vector<16xf32>)
        %parallel_loop3A_350 = arith.constant 0 : i32
        %parallel_loop3A_351 = arith.index_cast %parallel_loop3A_350 : i32 to index
        %parallel_loop3A_352 = arith.index_cast %parallel_loop3A_341 : i32 to index
        %parallel_loop3A_353 = tpu.vector_load %arg15[%parallel_loop3A_351, %parallel_loop3A_352] {strides = array<i32>} : memref<2x4096xf32, #tpu.memory_space<vmem>>, vector<16xf32>,
        tpu.vector_store %arg15[%parallel_loop3A_351, %parallel_loop3A_352], %parallel_loop3A_348 {strides = array<i32>} : memref<2x4096xf32, #tpu.memory_space<vmem>>, vector<16xf32>,
        %parallel_loop3A_354 = arith.constant 1 : i32
        %parallel_loop3A_355 = arith.index_cast %parallel_loop3A_354 : i32 to index
        %parallel_loop3A_356 = arith.index_cast %parallel_loop3A_341 : i32 to index
        %parallel_loop3A_357 = tpu.vector_load %arg7[%parallel_loop3A_355, %parallel_loop3A_356] {strides = array<i32>} : memref<2x4096xf32, #tpu.memory_space<vmem>>, vector<16xf32>,
        %parallel_loop3A_358 = arith.constant dense<true> : vector<16xi1>
        %parallel_loop3A_359, %parallel_loop3A_360, %parallel_loop3A_361 = tpu.sort %parallel_loop3A_357, %parallel_loop3A_357 masked %parallel_loop3A_358 : (vector<16xf32>, vector<16xf32>, vector<16xi1>) -> (vector<16xi1>, vector<16xf32>, vector<16xf32>)
        %parallel_loop3A_362 = arith.constant 1 : i32
        %parallel_loop3A_363 = arith.index_cast %parallel_loop3A_362 : i32 to index
        %parallel_loop3A_364 = arith.index_cast %parallel_loop3A_341 : i32 to index
        %parallel_loop3A_365 = tpu.vector_load %arg15[%parallel_loop3A_363, %parallel_loop3A_364] {strides = array<i32>} : memref<2x4096xf32, #tpu.memory_space<vmem>>, vector<16xf32>,
        tpu.vector_store %arg15[%parallel_loop3A_363, %parallel_loop3A_364], %parallel_loop3A_360 {strides = array<i32>} : memref<2x4096xf32, #tpu.memory_space<vmem>>, vector<16xf32>,
      } {sc.loop_unroll_factor = 2 : i64, sc.parallel_access}
      %mul3A_328 = arith.constant 2 : i32
      %mul3A_329 = arith.muli %add3A_312, %mul3A_328 : i32
      %add3A_330 = arith.addi %mul3A_2, %mul3A_329 : i32
      %dma_start3A_331 = arith.constant 0 : i32
      %dma_start3A_332 = tpu.memref_slice %arg3[%add3A_330, %dma_start3A_331] : memref<16384x4096xf32, #tpu.memory_space<hbm>> -> memref<2x4096xf32, #tpu.memory_space<hbm>>
      %dma_start3A_333 = arith.constant 0 : i32
      %dma_start3A_334 = tpu.memref_slice %arg3[%add3A_330, %dma_start3A_333] : memref<16384x4096xf32, #tpu.memory_space<hbm>> -> memref<2x4096xf32, #tpu.memory_space<hbm>>
      tpu.enqueue_dma source(%arg15 : memref<2x4096xf32, #tpu.memory_space<vmem>>) target(%dma_start3A_334 : memref<2x4096xf32, #tpu.memory_space<hbm>>) target_semaphore(%arg27 : memref<!tpu.dma_semaphore, #tpu.memory_space<semaphore_mem>>)
      %lt3A_335 = arith.constant 31 : i32
      %lt3A_336 = arith.cmpi slt, %scan3A_79, %lt3A_335 : i32
      %convert_element_type3A_337 = arith.extui %lt3A_336 : i1 to i32
      %cond3A_338 = arith.constant 0 : i32
      %cond3A_339 = arith.cmpi ne, %convert_element_type3A_337, %cond3A_338 : i32
      scf.if %cond3A_339 {
        %add3A_341 = arith.constant 4 : i32
        %add3A_342 = arith.addi %add3A_312, %add3A_341 : i32
        %mul3A_343 = arith.constant 2 : i32
        %mul3A_344 = arith.muli %add3A_342, %mul3A_343 : i32
        %add3A_345 = arith.addi %mul3A_2, %mul3A_344 : i32
        %dma_start3A_346 = arith.constant 0 : i32
        %dma_start3A_347 = tpu.memref_slice %arg2[%add3A_345, %dma_start3A_346] : memref<16384x4096xf32, #tpu.memory_space<hbm>> -> memref<2x4096xf32, #tpu.memory_space<hbm>>
        %dma_start3A_348 = arith.constant 0 : i32
        %dma_start3A_349 = tpu.memref_slice %arg2[%add3A_345, %dma_start3A_348] : memref<16384x4096xf32, #tpu.memory_space<hbm>> -> memref<2x4096xf32, #tpu.memory_space<hbm>>
        tpu.enqueue_dma source(%dma_start3A_349 : memref<2x4096xf32, #tpu.memory_space<hbm>>) target(%arg7 : memref<2x4096xf32, #tpu.memory_space<vmem>>) target_semaphore(%arg19 : memref<!tpu.dma_semaphore, #tpu.memory_space<semaphore_mem>>)
      } else {
      }
      %scan3A_340 = arith.constant 0 : i32
      scf.yield %scan3A_340 : i32
    }
    %scan3A_31 = arith.constant 32 : i32
    %add3A_32 = arith.constant 496 : i32
    %add3A_33 = arith.addi %mul3A_2, %add3A_32 : i32
    %dma_wait3A = arith.constant 0 : i32
    %dma_wait3A_34 = tpu.memref_slice %arg3[%add3A_33, %dma_wait3A] : memref<16384x4096xf32, #tpu.memory_space<hbm>> -> memref<2x4096xf32, #tpu.memory_space<hbm>>
    %dma_wait3A_35 = arith.constant 0 : i32
    %dma_wait3A_36 = tpu.memref_slice %arg3[%add3A_33, %dma_wait3A_35] : memref<16384x4096xf32, #tpu.memory_space<hbm>> -> memref<2x4096xf32, #tpu.memory_space<hbm>>
    tpu.wait_dma2 semaphore(%arg20 : memref<!tpu.dma_semaphore, #tpu.memory_space<semaphore_mem>>) src(%arg8 : memref<2x4096xf32, #tpu.memory_space<vmem>>) dst(%dma_wait3A_36 : memref<2x4096xf32, #tpu.memory_space<hbm>>)
    %add3A_37 = arith.constant 498 : i32
    %add3A_38 = arith.addi %mul3A_2, %add3A_37 : i32
    %dma_wait3A_39 = arith.constant 0 : i32
    %dma_wait3A_40 = tpu.memref_slice %arg3[%add3A_38, %dma_wait3A_39] : memref<16384x4096xf32, #tpu.memory_space<hbm>> -> memref<2x4096xf32, #tpu.memory_space<hbm>>
    %dma_wait3A_41 = arith.constant 0 : i32
    %dma_wait3A_42 = tpu.memref_slice %arg3[%add3A_38, %dma_wait3A_41] : memref<16384x4096xf32, #tpu.memory_space<hbm>> -> memref<2x4096xf32, #tpu.memory_space<hbm>>
    tpu.wait_dma2 semaphore(%arg21 : memref<!tpu.dma_semaphore, #tpu.memory_space<semaphore_mem>>) src(%arg9 : memref<2x4096xf32, #tpu.memory_space<vmem>>) dst(%dma_wait3A_42 : memref<2x4096xf32, #tpu.memory_space<hbm>>)
    %add3A_43 = arith.constant 500 : i32
    %add3A_44 = arith.addi %mul3A_2, %add3A_43 : i32
    %dma_wait3A_45 = arith.constant 0 : i32
    %dma_wait3A_46 = tpu.memref_slice %arg3[%add3A_44, %dma_wait3A_45] : memref<16384x4096xf32, #tpu.memory_space<hbm>> -> memref<2x4096xf32, #tpu.memory_space<hbm>>
    %dma_wait3A_47 = arith.constant 0 : i32
    %dma_wait3A_48 = tpu.memref_slice %arg3[%add3A_44, %dma_wait3A_47] : memref<16384x4096xf32, #tpu.memory_space<hbm>> -> memref<2x4096xf32, #tpu.memory_space<hbm>>
    tpu.wait_dma2 semaphore(%arg22 : memref<!tpu.dma_semaphore, #tpu.memory_space<semaphore_mem>>) src(%arg10 : memref<2x4096xf32, #tpu.memory_space<vmem>>) dst(%dma_wait3A_48 : memref<2x4096xf32, #tpu.memory_space<hbm>>)
    %add3A_49 = arith.constant 502 : i32
    %add3A_50 = arith.addi %mul3A_2, %add3A_49 : i32
    %dma_wait3A_51 = arith.constant 0 : i32
    %dma_wait3A_52 = tpu.memref_slice %arg3[%add3A_50, %dma_wait3A_51] : memref<16384x4096xf32, #tpu.memory_space<hbm>> -> memref<2x4096xf32, #tpu.memory_space<hbm>>
    %dma_wait3A_53 = arith.constant 0 : i32
    %dma_wait3A_54 = tpu.memref_slice %arg3[%add3A_50, %dma_wait3A_53] : memref<16384x4096xf32, #tpu.memory_space<hbm>> -> memref<2x4096xf32, #tpu.memory_space<hbm>>
    tpu.wait_dma2 semaphore(%arg23 : memref<!tpu.dma_semaphore, #tpu.memory_space<semaphore_mem>>) src(%arg11 : memref<2x4096xf32, #tpu.memory_space<vmem>>) dst(%dma_wait3A_54 : memref<2x4096xf32, #tpu.memory_space<hbm>>)
    %add3A_55 = arith.constant 504 : i32
    %add3A_56 = arith.addi %mul3A_2, %add3A_55 : i32
    %dma_wait3A_57 = arith.constant 0 : i32
    %dma_wait3A_58 = tpu.memref_slice %arg3[%add3A_56, %dma_wait3A_57] : memref<16384x4096xf32, #tpu.memory_space<hbm>> -> memref<2x4096xf32, #tpu.memory_space<hbm>>
    %dma_wait3A_59 = arith.constant 0 : i32
    %dma_wait3A_60 = tpu.memref_slice %arg3[%add3A_56, %dma_wait3A_59] : memref<16384x4096xf32, #tpu.memory_space<hbm>> -> memref<2x4096xf32, #tpu.memory_space<hbm>>
    tpu.wait_dma2 semaphore(%arg24 : memref<!tpu.dma_semaphore, #tpu.memory_space<semaphore_mem>>) src(%arg12 : memref<2x4096xf32, #tpu.memory_space<vmem>>) dst(%dma_wait3A_60 : memref<2x4096xf32, #tpu.memory_space<hbm>>)
    %add3A_61 = arith.constant 506 : i32
    %add3A_62 = arith.addi %mul3A_2, %add3A_61 : i32
    %dma_wait3A_63 = arith.constant 0 : i32
    %dma_wait3A_64 = tpu.memref_slice %arg3[%add3A_62, %dma_wait3A_63] : memref<16384x4096xf32, #tpu.memory_space<hbm>> -> memref<2x4096xf32, #tpu.memory_space<hbm>>
    %dma_wait3A_65 = arith.constant 0 : i32
    %dma_wait3A_66 = tpu.memref_slice %arg3[%add3A_62, %dma_wait3A_65] : memref<16384x4096xf32, #tpu.memory_space<hbm>> -> memref<2x4096xf32, #tpu.memory_space<hbm>>
    tpu.wait_dma2 semaphore(%arg25 : memref<!tpu.dma_semaphore, #tpu.memory_space<semaphore_mem>>) src(%arg13 : memref<2x4096xf32, #tpu.memory_space<vmem>>) dst(%dma_wait3A_66 : memref<2x4096xf32, #tpu.memory_space<hbm>>)
    %add3A_67 = arith.constant 508 : i32
    %add3A_68 = arith.addi %mul3A_2, %add3A_67 : i32
    %dma_wait3A_69 = arith.constant 0 : i32
    %dma_wait3A_70 = tpu.memref_slice %arg3[%add3A_68, %dma_wait3A_69] : memref<16384x4096xf32, #tpu.memory_space<hbm>> -> memref<2x4096xf32, #tpu.memory_space<hbm>>
    %dma_wait3A_71 = arith.constant 0 : i32
    %dma_wait3A_72 = tpu.memref_slice %arg3[%add3A_68, %dma_wait3A_71] : memref<16384x4096xf32, #tpu.memory_space<hbm>> -> memref<2x4096xf32, #tpu.memory_space<hbm>>
    tpu.wait_dma2 semaphore(%arg26 : memref<!tpu.dma_semaphore, #tpu.memory_space<semaphore_mem>>) src(%arg14 : memref<2x4096xf32, #tpu.memory_space<vmem>>) dst(%dma_wait3A_72 : memref<2x4096xf32, #tpu.memory_space<hbm>>)
    %add3A_73 = arith.constant 510 : i32
    %add3A_74 = arith.addi %mul3A_2, %add3A_73 : i32
    %dma_wait3A_75 = arith.constant 0 : i32
    %dma_wait3A_76 = tpu.memref_slice %arg3[%add3A_74, %dma_wait3A_75] : memref<16384x4096xf32, #tpu.memory_space<hbm>> -> memref<2x4096xf32, #tpu.memory_space<hbm>>
    %dma_wait3A_77 = arith.constant 0 : i32
    %dma_wait3A_78 = tpu.memref_slice %arg3[%add3A_74, %dma_wait3A_77] : memref<16384x4096xf32, #tpu.memory_space<hbm>> -> memref<2x4096xf32, #tpu.memory_space<hbm>>
    tpu.wait_dma2 semaphore(%arg27 : memref<!tpu.dma_semaphore, #tpu.memory_space<semaphore_mem>>) src(%arg15 : memref<2x4096xf32, #tpu.memory_space<vmem>>) dst(%dma_wait3A_78 : memref<2x4096xf32, #tpu.memory_space<hbm>>)
    return
  }
}

</mosaic_0001>

<sc_bundles>
// kernel: kernel.3.cloned.1.call-start
scs
__scs_entry_jumppad:
0x0: {  	(pc) =	sbr.rel $0x88, $3  }
0x1: {  	(tag) =	ssettag $0x0;
	lr =	simm.s32 $0x1  }
0x2: {  	[smem:$0x3FA0] =	sst lr;
	_ =	strace $0xD0000000  }
0x3: {  	_ = 	snop  }
0x4: {  	_ = 	snop  }
0x5: {  	_ = 	snop  }
0x6: {  	_ = 	snop  }
0x7: {  	_ = 	snop  }
__scs_overlays_trampoline_lowered:
0x8: {  	[smem:$0x3FAF] =	sst s0  }
0x9: {  	[smem:$0x3FB0] =	sst s1  }
0xa: {  	[smem:$0x3FB1] =	sst s2  }
0xb: {  	[smem:$0x3FB2] =	sst s3  }
0xc: {  	[smem:$0x3FB3] =	sst s4  }
0xd: {  	[smem:$0x3FB4] =	sst s5  }
0xe: {  	[smem:$0x3FB5] =	sst s6  }
0xf: {  	[smem:$0x3FB6] =	sst s7  }
0x10: {  	[smem:$0x3FB7] =	sst s8  }
0x11: {  	[smem:$0x3FB8] =	sst s9;
	s0 =	simm.s32 @!p0 $0x0  }
0x12: {  	s1 =	sld [smem:$0x3F9E];
	s0 =	simm.s32 @p0 $0x1  }
0x13: {  	[smem:$0x3FB9] =	sst s0;
	s0 =	simm.s32 @!p1 $0x0  }
0x14: {  	s2 =	sld [smem:$0x3F9D];
	s0 =	simm.s32 @p1 $0x1  }
0x15: {  	[smem:$0x3FBA] =	sst s0;
	s0 =	simm.s32 @!p2 $0x0  }
0x16: {  	s3 =	sld [smem:$0x3FDB];
	s0 =	simm.s32 @p2 $0x1  }
0x17: {  	s4 =	simm.s32 $0x1BF5;
	[smem:$0x3FBC] =	sst s0  }
0x18: {  	s0 =	sld [smem:$0x3F9F];
	_ =	swait.ge [sflag:s4], $0x0  }
0x19: {  	s7 =	sld [smem:$0x3FA0]  }
0x1a: {  	s8 =	sadd.s32 $0xFFFFE003, lr  }
0x1b: {  	s9 =	sadd.s32 $0xFFFFFEF7, lr;
	s5 =	simm.s32 $0xFFFFFFFF;
	p2 =	slt.u32 s8, $0xFFFFF086  }
0x1c: {  	p1 =	slt.u32 s9, $0xF7A;
	s5 =	simm.s32 @!p2 $0x0  }
0x1d: {  	s5 =	simm.s32 @p1 $0x1;
	p0 =	seq.s32 s7, s2  }
0x1e: {  	s7 =	smul.u32 @!p0 $0xF7A, s2;
	p2 =	seq.s32 @!p0 s5, $0x0  }
0x1f: {  	s9 =	smul.u32 $0xF7A, s1;
	s8 =	simm.s32 @!p0 $0x1BF5;
	p2 =	por !p2, p0  }
0x20: {  	[sflag:s8] =	ssyncset.s32 @!p0 $0xFFFFF086;
	s6 =	sadd.s32 @!p0 s3, s7;
	s7 =	simm.s32 @!p0 $0x108  }
0x21: {  	s3 =	sadd.s32 s3, s9;
	s6 =	sadd.s32 @!p0 $0x88, s6;
	s7 =	simm.s32 @p2 $0x1082  }
0x22: {  	[simem:s7], [sflag:s8] =	dma.local @!p0 [hbm:s6], $0xF7A  }
0x23: {  	s9 =	sor.u32 $0xD0000000, s2;
	s6 =	simm.s32 $0x108;
	_ =	swait.ge @!p0 [sflag:s8], $0x0  }
0x24: {  	s3 =	sadd.s32 $0x88, s3;
	s6 =	simm.s32 @!p1 $0x1082;
	[sflag:s4] =	ssyncset.s32 $0xFFFFF086  }
0x25: {  	[simem:s6], [sflag:s4] =	dma.local [hbm:s3], $0xF7A  }
0x26: {  	[smem:$0x3FA0] =	sst s1;
	(tag) =	ssettag s2;
	_ =	strace s9  }
0x27: {  	s1 =	sld [smem:$0x3FB0]  }
0x28: {  	s2 =	sld [smem:$0x3FB1]  }
0x29: {  	s4 =	sld [smem:$0x3FB3]  }
0x2a: {  	p0 =	seq.s32 s5, $0x0;
	s5 =	sld [smem:$0x3FB4]  }
0x2b: {  	s6 =	sld [smem:$0x3FB5]  }
0x2c: {  	s7 =	sld [smem:$0x3FB6]  }
0x2d: {  	s3 =	simm.s32 $0x108;
	s8 =	sld [smem:$0x3FB7]  }
0x2e: {  	s3 =	simm.s32 @!p0 $0x1082;
	s9 =	sld [smem:$0x3FB8]  }
0x2f: {  	lr =	sadd.s32 s0, s3;
	s0 =	sld [smem:$0x3FAF]  }
0x30: {  	s3 =	sld [smem:$0x3FB2]  }
0x31: {  	[smem:$0x3FBB] =	sst s10  }
0x32: {  	s10 =	sld [smem:$0x3FB9];
	_ =	sdelay $0x3  }
0x33: {  	p0 =	seq.s32 s10, $0x1;
	s10 =	sld [smem:$0x3FBB];
	_ =	sdelay $0x3  }
0x34: {  	[smem:$0x3FBB] =	sst s10  }
0x35: {  	s10 =	sld [smem:$0x3FBA];
	_ =	sdelay $0x3  }
0x36: {  	p1 =	seq.s32 s10, $0x1;
	s10 =	sld [smem:$0x3FBB];
	_ =	sdelay $0x3  }
0x37: {  	[smem:$0x3FBB] =	sst s10  }
0x38: {  	s10 =	sld [smem:$0x3FBC]  }
0x39: {  	_ = 	snop;
	(pc) =	sbr.ind lr, $3  }
0x3a: {  	_ = 	snop  }
0x3b: {  	_ = 	snop  }
0x3c: {  	p2 =	seq.s32 s10, $0x1;
	s10 =	sld [smem:$0x3FBB]  }
0x3d: {  	_ =	shalt  }
0x3e: {  	_ =	shalt  }
0x3f: {  	_ =	shalt  }
0x40: {  	_ =	shalt  }
0x41: {  	_ =	shalt  }
0x42: {  	_ =	shalt  }
0x43: {  	_ =	shalt  }
0x44: {  	_ =	shalt  }
0x45: {  	_ =	shalt  }
0x46: {  	_ =	shalt  }
0x47: {  	_ =	shalt  }
0x48: {  	_ =	shalt  }
0x49: {  	_ =	shalt  }
0x4a: {  	_ =	shalt  }
0x4b: {  	_ =	shalt  }
0x4c: {  	_ =	shalt  }
0x4d: {  	_ =	shalt  }
0x4e: {  	_ =	shalt  }
0x4f: {  	_ =	shalt  }
0x50: {  	_ =	shalt  }
0x51: {  	_ =	shalt  }
0x52: {  	_ =	shalt  }
0x53: {  	_ =	shalt  }
0x54: {  	_ =	shalt  }
0x55: {  	_ =	shalt  }
0x56: {  	_ =	shalt  }
0x57: {  	_ =	shalt  }
0x58: {  	_ =	shalt  }
0x59: {  	_ =	shalt  }
0x5a: {  	_ =	shalt  }
0x5b: {  	_ =	shalt  }
0x5c: {  	_ =	shalt  }
0x5d: {  	_ =	shalt  }
0x5e: {  	_ =	shalt  }
0x5f: {  	_ =	shalt  }
0x60: {  	_ =	shalt  }
0x61: {  	_ =	shalt  }
0x62: {  	_ =	shalt  }
0x63: {  	_ =	shalt  }
0x64: {  	_ =	shalt  }
0x65: {  	_ =	shalt  }
0x66: {  	_ =	shalt  }
0x67: {  	_ =	shalt  }
0x68: {  	_ =	shalt  }
0x69: {  	_ =	shalt  }
0x6a: {  	_ =	shalt  }
0x6b: {  	_ =	shalt  }
0x6c: {  	_ =	shalt  }
0x6d: {  	_ =	shalt  }
0x6e: {  	_ =	shalt  }
0x6f: {  	_ =	shalt  }
0x70: {  	_ =	shalt  }
0x71: {  	_ =	shalt  }
0x72: {  	_ =	shalt  }
0x73: {  	_ =	shalt  }
0x74: {  	_ =	shalt  }
0x75: {  	_ =	shalt  }
0x76: {  	_ =	shalt  }
0x77: {  	_ =	shalt  }
0x78: {  	_ =	shalt  }
0x79: {  	_ =	shalt  }
0x7a: {  	_ =	shalt  }
0x7b: {  	_ =	shalt  }
0x7c: {  	_ =	shalt  }
0x7d: {  	_ =	shalt  }
0x7e: {  	_ =	shalt  }
0x7f: {  	_ =	shalt  }
0x80: {  	_ =	shalt  }
0x81: {  	_ =	shalt  }
0x82: {  	_ =	shalt  }
0x83: {  	_ =	shalt  }
0x84: {  	_ =	shalt  }
0x85: {  	_ =	shalt  }
0x86: {  	_ =	shalt  }
0x87: {  	_ =	shalt  }
.Lfunc_end0:
.L_simem_size_0:
called_computation_lowered:
.L_overlay_start_0:
0x88: {  	s2 =	sld [smem:$0x3FD9]  }
0x89: {  	s3 =	sld [smem:$0x3FFE];
	_ =	sdelay $0x1  }
0x8a: {  	s1 =	srdreg.scid  }
0x8b: {  	s0 =	sand.u32 $0x1, s1  }
0x8c: {  	s18 =	sshll.u32 s0, $0xA;
	s2 =	sadd.s32 s3, s2  }
0x8d: {  	s2 =	sadd.s32 s2, s18  }
0x8e: {  	[smem:$0x3FC7] =	sst s2  }
0x8f: {  	_ = 	snop  }
0x90: {  	s2 =	sld [smem:$0x3FC9]  }
0x91: {  	s19 =	sld [smem:$0x3FD0];
	(tm) =	ssettm $0x1  }
0x92: {  	s4 =	sld [smem:$0x3FFB];
	_ =	sdelay $0x3  }
0x93: {  	_ =	strace s4  }
0x94: {  	s4 =	sld [smem:$0x3FFC];
	_ =	sdelay $0x3  }
0x95: {  	_ =	strace s4  }
0x96: {  	s4 =	sld [smem:$0x3FFD];
	_ =	sdelay $0x3  }
0x97: {  	_ =	strace s4  }
0x98: {  	_ =	strace $0x8FFFFFFF  }
0x99: {  	s20 =	sld [smem:$0x3FDB];
	_ =	sdelay $0x1  }
0x9a: {  	s5 =	simm.s32 $_scs_section_size  }
0x9b: {  	s6 =	simm.s32 $_size__tile_overlayer_lowered;
	s7 =	simm.s32 $_tile_overlayer_lowered  }
0x9c: {  	s23 =	simm.s32 $0x1BFF;
	s22 =	sshll.u32 s7, $0x1;
	s4 =	sadd.s32 s5, s20  }
0x9d: {  	s8 =	simm.s32 $0x0;
	s21 =	sshll.u32 s6, $0x1;
	s6 =	sadd.s32 s22, s4  }
0x9e: {  	[timem:s8], [sflag:s23] =	dma.local [hbm:s6], s21  }
0x9f: {  	_ =	swait.ge [sflag:s23], s21  }
0xa0: {  	s5 =	ssub.s32 $0x0, s21;
	[sflag:s23] =	ssyncset.done $0x0  }
0xa1: {  	[sflag:s23] =	ssyncadd.s32 s5;
	_ =	sdelay $0x1  }
0xa2: {  	s24 =	simm.s32 $0x1B8B  }
0xa3: {  	_ =	swait.ge [sflag:s24], $0x1  }
0xa4: {  	[sflag:s24] =	ssyncset.done $0x0  }
0xa5: {  	s25 =	simm.s32 $0x1B8E;
	[sflag:s24] =	ssyncadd.s32 $0xFFFFFFFF  }
0xa6: {  	s26 =	simm.s32 $execute0_lowered;
	[smem:$0x3FD2] =	sst s25  }
0xa7: {  	s5 =	sshll.u32 s26, $0x1;
	_ =	strace $0x80000046;
	[dreg:$0x1] =	wrdreg $0xFFFFFFFF  }
0xa8: {  	s28 =	simm.s32 $_size_execute0_lowered;
	s4 =	sadd.s32 s4, s5;
	[dreg:$0x0] =	wrdreg $0x0  }
0xa9: {  	s5 =	sshll.u32 s28, $0x1;
	[dreg:$0x2] =	wrdreg s4  }
0xaa: {  	[dreg:$0x3] =	wrdreg s5  }
0xab: {  	[dreg:$0x4] =	wrdreg $0xC0  }
0xac: {  	_ =	task [dreg:s8], $0x5FFFF  }
0xad: {  	[dreg:$0x1] =	wrdreg $0xFFFFFFFF  }
0xae: {  	[dreg:$0x0] =	wrdreg $0x60  }
0xaf: {  	[dreg:$0x2] =	wrdreg s2  }
0xb0: {  	[dreg:$0x3] =	wrdreg s19  }
0xb1: {  	[dreg:$0x4] =	wrdreg $0x9  }
0xb2: {  	_ =	task.clear_ibuf [dreg:s8], $0x5FFFF;
	_ =	strace $0x90000046  }
0xb3: {  	s29 =	simm.s32 $0x9;
	_ =	strace $0x80000048  }
0xb4: {  	_ =	swait.ge [sflag:s29], $0x1  }
0xb5: {  	[sflag:s29] =	ssyncadd.s32 $0xFFFFFFFF  }
0xb6: {  	_ =	strace $0x90000048  }
0xb7: {  	_ =	sfence  }
0xb8: {  	s30 =	sld [smem:$0x0];
	_ =	sdelay $0x2  }
0xb9: {  	s31 =	sshll.u32 s1, $0xD;
	s1 =	sshrl.u32 s1, $0x2  }
0xba: {  	s3 =	sand.u32 $0x4000, s31;
	s1 =	sadd.s32 s1, s30  }
0xbb: {  	s0 =	sor.u32 s3, s0;
	s1 =	sshll.u32 s1, $0x11  }
0xbc: {  	s0 =	sor.u32 s1, s0  }
0xbd: {  	s0 =	sadd.s32 $0x8F2B, s0  }
0xbe: {  	[sflag:s0] =	ssyncadd.remote.s32 $0x1  }
0xbf: {  	_ =	sfence.sel $0xFFFF  }
0xc0: {  	[dreg:$0x0] =	wrdreg $0xFFFFFFFF;
	(pc) =	sbr.abs _section_cstart, $3  }
0xc1: {  	[dreg:$0x1] =	wrdreg $0xFFFFFFFF  }
0xc2: {  	_ =	task.clear_ibuf [dreg:s8], $0x2FFFF;
	_ =	strace $0x9FFFFFFF  }
0xc3: {  	(tm) =	ssettm $0x7FFFFFFF  }
tec
execute0_lowered:
.L_overlay_start_1:
0x0: {  	(tag) =	ssettag $0x1  }
0x1: {  	s2 =	rddreg [dreg:$0x0]  }
0x2: {  	s3 =	rddreg [dreg:$0x1];
	s0 =	srdreg.scid  }
0x3: {  	s1 =	stileid.u32;
	s5 =	simm.s32 $0x0;
	s19 =	simm.s32 $0x100  }
0x4: {  	s20 =	simm.s32 $0x400;
	s29 =	simm.s32 $0x3;
	s31 =	simm.s32 $0x4  }
0x5: {  	s7 =	simm.s32 $0xA;
	s12 =	simm.s32 $0xB;
	s18 =	simm.s32 $0xC  }
0x6: {  	s0 =	sand.u32 $0x1, s0;
	s1 =	sshll.u32 s1, $0xA;
	[smem:$0x7FF] =	sst s5  }
0x7: {  	s24 =	sadd.s32 $0x20, s2;
	s25 =	sadd.s32 $0x40, s2;
	s6 =	sadd.s32 $0x60, s2  }
0x8: {  	s28 =	sadd.s32 $0x20, s3;
	_ =	strace $0x80000047;
	[dreg:$0x4] =	wrdreg s24  }
0x9: {  	s30 =	sadd.s32 $0x40, s3;
	s16 =	sadd.s32 $0x60, s3;
	[dreg:$0x6] =	wrdreg s25  }
0xa: {  	s4 =	sshll.u32 s0, $0x9;
	s0 =	ssub.s32 $0x2, s0;
	[dreg:$0x7] =	wrdreg s6  }
0xb: {  	[dreg:$0xa] =	wrdreg s28;
	s4 =	sor.u32 s4, s1;
	s21 =	sshrl.u32 s0, $0x1  }
0xc: {  	[dreg:$0xb] =	wrdreg s30;
	s22 =	sshll.u32 s4, $0x9;
	s0 =	ssub.s32 s0, s21  }
0xd: {  	s14 =	smov.u32 s4;
	s17 =	sor.u32 $0x10, s4;
	s23 =	sadd.s32 s2, s22  }
.Ltmp0:
0xe: {  	s1 =	sadd.s32 s22, s24;
	[dreg:$0x3] =	wrdreg s23;
	(pc) =	sbr.rel .LBB2_1-.Ltmp0, $4  }
0xf: {  	s15 =	smov.u32 s22;
	s26 =	sadd.s32 s22, s6;
	[dreg:$0x5] =	wrdreg s1  }
0x10: {  	s0 =	smax.u32 s0, $0x1;
	s24 =	simm.s32 $0x1;
	[dreg:$0x9] =	wrdreg s26  }
0x11: {  	s1 =	sadd.s32 s22, s25;
	[dreg:$0xc] =	wrdreg s0;
	s23 =	simm.s32 $0x6000  }
0x12: {  	s26 =	simm.s32 $0x2;
	[dreg:$0x8] =	wrdreg s1;
	s1 =	simm.s32 $0x0  }
.LBB2_32:
0x13: {  	s0 =	simm.s32 $0x5  }
0x14: {  	_ =	swait.ge [sflag:s0], $0x2000  }
0x15: {  	[sflag:s0] =	ssyncset.done $0x0  }
0x16: {  	s21 =	simm.s32 $0x6;
	[sflag:s0] =	ssyncadd.s32 $0xFFFFE000  }
0x17: {  	_ =	swait.ge [sflag:s21], $0x2000  }
0x18: {  	[sflag:s21] =	ssyncset.done $0x0  }
0x19: {  	s22 =	simm.s32 $0x7;
	[sflag:s21] =	ssyncadd.s32 $0xFFFFE000  }
0x1a: {  	_ =	swait.ge [sflag:s22], $0x2000  }
0x1b: {  	[sflag:s22] =	ssyncset.done $0x0  }
0x1c: {  	s25 =	simm.s32 $0x8;
	[sflag:s22] =	ssyncadd.s32 $0xFFFFE000  }
0x1d: {  	_ =	swait.ge [sflag:s25], $0x2000  }
0x1e: {  	[sflag:s25] =	ssyncset.done $0x0  }
0x1f: {  	s28 =	simm.s32 $0x9;
	[sflag:s25] =	ssyncadd.s32 $0xFFFFE000  }
0x20: {  	_ =	swait.ge [sflag:s28], $0x2000  }
0x21: {  	[sflag:s28] =	ssyncset.done $0x0  }
0x22: {  	[sflag:s28] =	ssyncadd.s32 $0xFFFFE000  }
0x23: {  	_ =	swait.ge [sflag:s7], $0x2000  }
0x24: {  	[sflag:s7] =	ssyncset.done $0x0  }
0x25: {  	[sflag:s7] =	ssyncadd.s32 $0xFFFFE000  }
0x26: {  	_ =	swait.ge [sflag:s12], $0x2000  }
0x27: {  	[sflag:s12] =	ssyncset.done $0x0  }
0x28: {  	[sflag:s12] =	ssyncadd.s32 $0xFFFFE000  }
0x29: {  	_ =	swait.ge [sflag:s18], $0x2000  }
0x2a: {  	s1 =	rddreg [dreg:$0xd]  }
0x2b: {  	s30 =	rddreg [dreg:$0xc];
	s1 =	sadd.s32 $0x1, s1  }
0x2c: {  	p0 =	sne.s32 s1, s30  }
.Ltmp1:
0x2d: {  	_ = 	snop;
	(pc) =	sbr.rel @!p0 .LBB2_33-.Ltmp1, $3  }
0x2e: {  	_ =	sdelay $0x1  }
0x2f: {  	[sflag:s18] =	ssyncset.done $0x0  }
0x30: {  	[sflag:s18] =	ssyncadd.s32 $0xFFFFE000  }
.LBB2_1:
0x31: {  	[dreg:$0xd] =	wrdreg s1  }
0x32: {  	s0 =	simm.s32 $0x0;
	s13 =	rddreg [dreg:$0x3]  }
0x33: {  	[tilespmem:s0], [sflag:$0x1] =	stream.strided.gather [hbm4b:s13+s19], $0x2000, s20, s19, $0x38;
	[tilespmem:$0x18000] =	vst v63  }
0x34: {  	s21 =	rddreg [dreg:$0x5];
	s22 =	simm.s32 $0x2000  }
0x35: {  	[tilespmem:s22], [sflag:$0x2] =	stream.strided.gather [hbm4b:s21+s19], $0x2000, s20, s19, $0x38;
	[tilespmem:$0x18000] =	vst v63  }
0x36: {  	s25 =	rddreg [dreg:$0x8];
	s28 =	simm.s32 $0x4000  }
0x37: {  	[tilespmem:s28], [sflag:$0x3] =	stream.strided.gather [hbm4b:s25+s19], $0x2000, s20, s19, $0x38;
	[tilespmem:$0x18000] =	vst v63  }
0x38: {  	s30 =	rddreg [dreg:$0x9];
	s10 =	simm.s32 $0x0  }
0x39: {  	[tilespmem:s23], [sflag:$0x4] =	stream.strided.gather [hbm4b:s30+s19], $0x2000, s20, s19, $0x38;
	[tilespmem:$0x18000] =	vst v63  }
.LBB2_2:
0x3a: {  	_ =	swait.ge [sflag:s24], $0x2000  }
0x3b: {  	p0 =	seq.s32 s10, $0x0;
	[sflag:s24] =	ssyncset.done $0x0  }
0x3c: {  	s0 =	simm.s32 @!p0 $0x5;
	[sflag:s24] =	ssyncadd.s32 $0xFFFFE000  }
0x3d: {  	s1 =	simm.s32 $0x0;
	s4 =	simm.s32 $0x0;
	_ =	swait.ge @!p0 [sflag:s0], $0x2000  }
0x3e: {  	s4 =	sand.u32 $0x60, s4;
	s1 =	sand.u32 $0x1F00, s1;
	[sflag:s0] =	ssyncset.done @!p0 $0x0  }
0x3f: {  	[sflag:s0] =	ssyncadd.s32 @!p0 $0xFFFFE000;
	s0 =	sor.u32 s4, s1  }
0x40: {  	v0 =	vld [tilespmem:s0+$0x90]  }
0x41: {  	v1 =	vld [tilespmem:s0+$0x80];
	_ =	sdelay $0x2  }
0x42: {  	s11 =	simm.s32 $0x20;
	s13 =	simm.s32 $0x40  }
0x43: {  	s1 =	sand.u32 $0x60, s11;
	s4 =	sand.u32 $0x1F00, s13;
	(xrf1) =	vsort.ascd.msk.f32 $0xffff, v0, v0;
	v0 =	vld [tilespmem:s0+$0x0]  }
0x44: {  	s9 =	sor.u32 s1, s4;
	(xrf1) =	vsort.ascd.msk.f32 $0xffff, v1, v1;
	v1 =	vld [tilespmem:s0+$0x10]  }
0x45: {  	v2 =	vld [tilespmem:s9+$0x90]  }
0x46: {  	s21 =	simm.s32 $0x40;
	s22 =	simm.s32 $0x80;
	v3 =	vld [tilespmem:s9+$0x80]  }
0x47: {  	s1 =	sand.u32 $0x60, s21;
	s4 =	sand.u32 $0x1F00, s22;
	v4 =	vld [tilespmem:s9+$0x0]  }
0x48: {  	s1 =	sor.u32 s1, s4;
	(xrf1) =	vsort.ascd.msk.f32 $0xffff, v0, v0;
	v0 =	vld [tilespmem:s9+$0x10]  }
0x49: {  	(xrf1) =	vsort.ascd.msk.f32 $0xffff, v1, v1;
	v1 =	vld [tilespmem:s1+$0x90]  }
0x4a: {  	(xrf1) =	vsort.ascd.msk.f32 $0xffff, v2, v2;
	v2 =	vld [tilespmem:s1+$0x80]  }
0x4b: {  	(xrf1) =	vsort.ascd.msk.f32 $0xffff, v3, v3;
	v3 =	vld [tilespmem:s1+$0x0]  }
0x4c: {  	(xrf1) =	vsort.ascd.msk.f32 $0xffff, v4, v4;
	v4 =	vld [tilespmem:s1+$0x10]  }
0x4d: {  	(xrf1) =	vsort.ascd.msk.f32 $0xffff, v0, v0  }
0x4e: {  	(xrf1) =	vsort.ascd.msk.f32 $0xffff, v1, v1  }
0x4f: {  	(xrf1) =	vsort.ascd.msk.f32 $0xffff, v2, v2  }
0x50: {  	(xrf1) =	vsort.ascd.msk.f32 $0xffff, v3, v3  }
0x51: {  	v3, _, _ =	vpop (xrf1);
	(xrf1) =	vsort.ascd.msk.f32 $0xffff, v4, v4;
	_ =	sdelay $0x1  }
0x52: {  	s8 =	simm.s32 $0x60;
	s13 =	simm.s32 $0xC0  }
0x53: {  	s25 =	sand.u32 $0x60, s8;
	s11 =	sand.u32 $0x1F00, s13  }
0x54: {  	s4 =	sor.u32 s25, s11  }
0x55: {  	v0 =	vld [tilespmem:s4+$0x90]  }
0x56: {  	s30 =	sshll.u32 s10, $0xD;
	v1 =	vld [tilespmem:s4+$0x80]  }
0x57: {  	s28 =	sadd.s32 s15, s30;
	s25 =	sshll.u32 s10, $0x4;
	v2 =	vld [tilespmem:s4+$0x0];
	[tilespmem:s0+$0x8090] =	vst v3;
	v3, _, _ =	vpop (xrf1)  }
.LBB2_3:
0x58: {  	s8 =	sadd.s32 $0x20, s8  }
0x59: {  	v4 =	vld [tilespmem:s4+$0x10];
	s13 =	sadd.s32 $0x40, s13;
	[tilespmem:s0+$0x8080] =	vst v3;
	v3, _, _ =	vpop (xrf1);
	p1 =	slt.u32 s8, $0xFE0  }
.Ltmp2:
0x5a: {  	s11 =	sand.u32 $0x60, s8;
	s21 =	sand.u32 $0x1F00, s13;
	[tilespmem:s0+$0x8000] =	vst v3;
	v3, _, _ =	vpop (xrf1);
	(pc) =	sbr.rel @p1 .LBB2_3-.Ltmp2, $4  }
0x5b: {  	s11 =	sor.u32 s11, s21;
	(xrf1) =	vsort.ascd.msk.f32 $0xffff, v0, v0;
	[tilespmem:s0+$0x8010] =	vst v3;
	s0 =	smov.u32 s9  }
0x5c: {  	s9 =	smov.u32 s1;
	s1 =	smov.u32 s4;
	v0 =	vld [tilespmem:s11+$0x90];
	(xrf1) =	vsort.ascd.msk.f32 $0xffff, v1, v1;
	s4 =	smov.u32 s11  }
0x5d: {  	v1 =	vld [tilespmem:s4+$0x80];
	(xrf1) =	vsort.ascd.msk.f32 $0xffff, v2, v2;
	v3, _, _ =	vpop (xrf1)  }
0x5e: {  	v2 =	vld [tilespmem:s4+$0x0];
	(xrf1) =	vsort.ascd.msk.f32 $0xffff, v4, v4;
	[tilespmem:s0+$0x8090] =	vst v3;
	v3, _, _ =	vpop (xrf1)  }
0x5f: {  	v4 =	vld [tilespmem:s4+$0x10];
	_ =	sdelay $0x1  }
0x60: {  	(xrf1) =	vsort.ascd.msk.f32 $0xffff, v0, v0  }
0x61: {  	(xrf1) =	vsort.ascd.msk.f32 $0xffff, v1, v1  }
0x62: {  	(xrf1) =	vsort.ascd.msk.f32 $0xffff, v2, v2  }
0x63: {  	(xrf1) =	vsort.ascd.msk.f32 $0xffff, v4, v4  }
0x64: {  	[tilespmem:s0+$0x8080] =	vst v3;
	v0, _, _ =	vpop (xrf1)  }
0x65: {  	v1, _, _ =	vpop (xrf1);
	[tilespmem:s0+$0x8000] =	vst v0  }
0x66: {  	v0, _, _ =	vpop (xrf1);
	[tilespmem:s0+$0x8010] =	vst v1  }
0x67: {  	[tilespmem:s9+$0x8090] =	vst v0;
	v0, _, _ =	vpop (xrf1)  }
0x68: {  	[tilespmem:s9+$0x8080] =	vst v0;
	v0, _, _ =	vpop (xrf1)  }
0x69: {  	[tilespmem:s9+$0x8000] =	vst v0;
	v0, _, _ =	vpop (xrf1)  }
0x6a: {  	[tilespmem:s9+$0x8010] =	vst v0;
	v0, _, _ =	vpop (xrf1)  }
0x6b: {  	[tilespmem:s1+$0x8090] =	vst v0;
	v0, _, _ =	vpop (xrf1)  }
0x6c: {  	[tilespmem:s1+$0x8080] =	vst v0;
	v0, _, _ =	vpop (xrf1)  }
0x6d: {  	[tilespmem:s1+$0x8000] =	vst v0;
	v0, _, _ =	vpop (xrf1)  }
0x6e: {  	[tilespmem:s1+$0x8010] =	vst v0;
	v0, _, _ =	vpop (xrf1)  }
0x6f: {  	[tilespmem:s4+$0x8090] =	vst v0;
	v0, _, _ =	vpop (xrf1)  }
0x70: {  	[tilespmem:s4+$0x8080] =	vst v0;
	v0, _, _ =	vpop (xrf1)  }
0x71: {  	[tilespmem:s4+$0x8000] =	vst v0;
	v0, _, _ =	vpop (xrf1)  }
0x72: {  	s8 =	sadd.s32 s3, s28;
	s11 =	sor.u32 s25, s14;
	s9 =	simm.s32 $0x8000;
	[tilespmem:s4+$0x8010] =	vst v0  }
0x73: {  	[hbm4b:s8+s19] =	stream.strided.scatter [tilespmem:s9], [sflag:$0x5], $0x2000, s20, s19, $0x38;
	[tilespmem:$0x18000] =	vst v63  }
0x74: {  	s9 =	sshll.u32 s11, $0x9  }
0x75: {  	s1 =	sor.u32 $0x1000, s9  }
0x76: {  	s21 =	simm.s32 $0x0;
	s13 =	sadd.s32 s2, s1  }
0x77: {  	[tilespmem:s21], [sflag:$0x1] =	stream.strided.gather [hbm4b:s13+s19], $0x2000, s20, s19, $0x38;
	[tilespmem:$0x18000] =	vst v63  }
0x78: {  	_ =	swait.ge [sflag:s26], $0x2000  }
0x79: {  	[sflag:s26] =	ssyncset.done $0x0  }
0x7a: {  	s0 =	simm.s32 @!p0 $0x6;
	[sflag:s26] =	ssyncadd.s32 $0xFFFFE000  }
0x7b: {  	s22 =	simm.s32 $0x0;
	s8 =	simm.s32 $0x0;
	_ =	swait.ge @!p0 [sflag:s0], $0x2000  }
0x7c: {  	s4 =	sand.u32 $0x1F00, s22;
	s8 =	sand.u32 $0x60, s8;
	[sflag:s0] =	ssyncset.done @!p0 $0x0  }
0x7d: {  	[sflag:s0] =	ssyncadd.s32 @!p0 $0xFFFFE000;
	s0 =	sor.u32 s8, s4  }
0x7e: {  	v0 =	vld [tilespmem:s0+$0x2090]  }
0x7f: {  	v1 =	vld [tilespmem:s0+$0x2080];
	_ =	sdelay $0x2  }
0x80: {  	s30 =	simm.s32 $0x20;
	s5 =	simm.s32 $0x40  }
0x81: {  	s4 =	sand.u32 $0x60, s30;
	s8 =	sand.u32 $0x1F00, s5;
	(xrf1) =	vsort.ascd.msk.f32 $0xffff, v0, v0;
	v0 =	vld [tilespmem:s0+$0x2000]  }
0x82: {  	s8 =	sor.u32 s4, s8;
	(xrf1) =	vsort.ascd.msk.f32 $0xffff, v1, v1;
	v1 =	vld [tilespmem:s0+$0x2010]  }
0x83: {  	v2 =	vld [tilespmem:s8+$0x2090]  }
0x84: {  	s6 =	simm.s32 $0x40;
	s11 =	simm.s32 $0x80;
	v3 =	vld [tilespmem:s8+$0x2080]  }
0x85: {  	s11 =	sand.u32 $0x1F00, s11;
	s4 =	sand.u32 $0x60, s6;
	v4 =	vld [tilespmem:s8+$0x2000]  }
0x86: {  	s13 =	sor.u32 s4, s11;
	(xrf1) =	vsort.ascd.msk.f32 $0xffff, v0, v0;
	v0 =	vld [tilespmem:s8+$0x2010]  }
0x87: {  	(xrf1) =	vsort.ascd.msk.f32 $0xffff, v1, v1;
	v1 =	vld [tilespmem:s13+$0x2090]  }
0x88: {  	(xrf1) =	vsort.ascd.msk.f32 $0xffff, v2, v2;
	v2 =	vld [tilespmem:s13+$0x2080]  }
0x89: {  	(xrf1) =	vsort.ascd.msk.f32 $0xffff, v3, v3;
	v3 =	vld [tilespmem:s13+$0x2000]  }
0x8a: {  	(xrf1) =	vsort.ascd.msk.f32 $0xffff, v4, v4;
	v4 =	vld [tilespmem:s13+$0x2010]  }
0x8b: {  	(xrf1) =	vsort.ascd.msk.f32 $0xffff, v0, v0  }
0x8c: {  	(xrf1) =	vsort.ascd.msk.f32 $0xffff, v1, v1  }
0x8d: {  	(xrf1) =	vsort.ascd.msk.f32 $0xffff, v2, v2  }
0x8e: {  	(xrf1) =	vsort.ascd.msk.f32 $0xffff, v3, v3  }
0x8f: {  	v3, _, _ =	vpop (xrf1);
	(xrf1) =	vsort.ascd.msk.f32 $0xffff, v4, v4;
	_ =	sdelay $0x1  }
0x90: {  	s22 =	simm.s32 $0xC0;
	s21 =	simm.s32 $0x60  }
0x91: {  	s30 =	sand.u32 $0x1F00, s22;
	s11 =	sand.u32 $0x60, s21  }
0x92: {  	s4 =	sor.u32 s11, s30  }
0x93: {  	v0 =	vld [tilespmem:s4+$0x2090]  }
0x94: {  	v1 =	vld [tilespmem:s4+$0x2080]  }
0x95: {  	v2 =	vld [tilespmem:s4+$0x2000];
	[tilespmem:s0+$0xA090] =	vst v3;
	v3, _, _ =	vpop (xrf1)  }
.LBB2_5:
0x96: {  	s21 =	sadd.s32 $0x20, s21  }
0x97: {  	v4 =	vld [tilespmem:s4+$0x2010];
	s22 =	sadd.s32 $0x40, s22;
	[tilespmem:s0+$0xA080] =	vst v3;
	v3, _, _ =	vpop (xrf1);
	p1 =	slt.u32 s21, $0xFE0  }
.Ltmp3:
0x98: {  	s11 =	sand.u32 $0x60, s21;
	s30 =	sand.u32 $0x1F00, s22;
	[tilespmem:s0+$0xA000] =	vst v3;
	v3, _, _ =	vpop (xrf1);
	(pc) =	sbr.rel @p1 .LBB2_5-.Ltmp3, $4  }
0x99: {  	s11 =	sor.u32 s11, s30;
	(xrf1) =	vsort.ascd.msk.f32 $0xffff, v0, v0;
	[tilespmem:s0+$0xA010] =	vst v3;
	s0 =	smov.u32 s8  }
0x9a: {  	s8 =	smov.u32 s13;
	s13 =	smov.u32 s4;
	v0 =	vld [tilespmem:s11+$0x2090];
	(xrf1) =	vsort.ascd.msk.f32 $0xffff, v1, v1;
	s4 =	smov.u32 s11  }
0x9b: {  	v1 =	vld [tilespmem:s4+$0x2080];
	(xrf1) =	vsort.ascd.msk.f32 $0xffff, v2, v2;
	v3, _, _ =	vpop (xrf1)  }
0x9c: {  	v2 =	vld [tilespmem:s4+$0x2000];
	(xrf1) =	vsort.ascd.msk.f32 $0xffff, v4, v4;
	[tilespmem:s0+$0xA090] =	vst v3;
	v3, _, _ =	vpop (xrf1)  }
0x9d: {  	v4 =	vld [tilespmem:s4+$0x2010];
	_ =	sdelay $0x1  }
0x9e: {  	(xrf1) =	vsort.ascd.msk.f32 $0xffff, v0, v0  }
0x9f: {  	(xrf1) =	vsort.ascd.msk.f32 $0xffff, v1, v1  }
0xa0: {  	(xrf1) =	vsort.ascd.msk.f32 $0xffff, v2, v2  }
0xa1: {  	(xrf1) =	vsort.ascd.msk.f32 $0xffff, v4, v4  }
0xa2: {  	[tilespmem:s0+$0xA080] =	vst v3;
	v0, _, _ =	vpop (xrf1)  }
0xa3: {  	v1, _, _ =	vpop (xrf1);
	[tilespmem:s0+$0xA000] =	vst v0  }
0xa4: {  	v0, _, _ =	vpop (xrf1);
	[tilespmem:s0+$0xA010] =	vst v1  }
0xa5: {  	[tilespmem:s8+$0xA090] =	vst v0;
	v0, _, _ =	vpop (xrf1)  }
0xa6: {  	[tilespmem:s8+$0xA080] =	vst v0;
	v0, _, _ =	vpop (xrf1)  }
0xa7: {  	[tilespmem:s8+$0xA000] =	vst v0;
	v0, _, _ =	vpop (xrf1)  }
0xa8: {  	[tilespmem:s8+$0xA010] =	vst v0;
	v0, _, _ =	vpop (xrf1)  }
0xa9: {  	[tilespmem:s13+$0xA090] =	vst v0;
	v0, _, _ =	vpop (xrf1)  }
0xaa: {  	[tilespmem:s13+$0xA080] =	vst v0;
	v0, _, _ =	vpop (xrf1)  }
0xab: {  	[tilespmem:s13+$0xA000] =	vst v0;
	v0, _, _ =	vpop (xrf1)  }
0xac: {  	[tilespmem:s13+$0xA010] =	vst v0;
	v0, _, _ =	vpop (xrf1)  }
0xad: {  	[tilespmem:s4+$0xA090] =	vst v0;
	v0, _, _ =	vpop (xrf1)  }
0xae: {  	[tilespmem:s4+$0xA080] =	vst v0;
	v0, _, _ =	vpop (xrf1)  }
0xaf: {  	[tilespmem:s4+$0xA000] =	vst v0;
	v0, _, _ =	vpop (xrf1)  }
0xb0: {  	[tilespmem:s4+$0xA010] =	vst v0  }
0xb1: {  	s0 =	rddreg [dreg:$0xa]  }
0xb2: {  	s21 =	simm.s32 $0xA000;
	s0 =	sadd.s32 s28, s0  }
0xb3: {  	[hbm4b:s0+s19] =	stream.strided.scatter [tilespmem:s21], [sflag:$0x6], $0x2000, s20, s19, $0x38;
	[tilespmem:$0x18000] =	vst v63  }
0xb4: {  	s0 =	sor.u32 $0x1020, s9  }
0xb5: {  	s5 =	simm.s32 $0x2000;
	s22 =	sadd.s32 s2, s0  }
0xb6: {  	[tilespmem:s5], [sflag:$0x2] =	stream.strided.gather [hbm4b:s22+s19], $0x2000, s20, s19, $0x38;
	[tilespmem:$0x18000] =	vst v63  }
0xb7: {  	_ =	swait.ge [sflag:s29], $0x2000  }
0xb8: {  	[sflag:s29] =	ssyncset.done $0x0  }
0xb9: {  	s4 =	simm.s32 @!p0 $0x7;
	[sflag:s29] =	ssyncadd.s32 $0xFFFFE000  }
0xba: {  	s6 =	simm.s32 $0x0;
	s11 =	simm.s32 $0x0;
	_ =	swait.ge @!p0 [sflag:s4], $0x2000  }
0xbb: {  	s11 =	sand.u32 $0x60, s11;
	s8 =	sand.u32 $0x1F00, s6;
	[sflag:s4] =	ssyncset.done @!p0 $0x0  }
0xbc: {  	s30 =	sor.u32 s11, s8;
	[sflag:s4] =	ssyncadd.s32 @!p0 $0xFFFFE000  }
0xbd: {  	v0 =	vld [tilespmem:s30+$0x4090]  }
0xbe: {  	v1 =	vld [tilespmem:s30+$0x4080];
	_ =	sdelay $0x2  }
0xbf: {  	s11 =	simm.s32 $0x20;
	s13 =	simm.s32 $0x40  }
0xc0: {  	s8 =	sand.u32 $0x1F00, s13;
	s4 =	sand.u32 $0x60, s11;
	(xrf1) =	vsort.ascd.msk.f32 $0xffff, v0, v0;
	v0 =	vld [tilespmem:s30+$0x4000]  }
0xc1: {  	s8 =	sor.u32 s4, s8;
	(xrf1) =	vsort.ascd.msk.f32 $0xffff, v1, v1;
	v1 =	vld [tilespmem:s30+$0x4010]  }
0xc2: {  	v2 =	vld [tilespmem:s8+$0x4090]  }
0xc3: {  	s21 =	simm.s32 $0x40;
	s22 =	simm.s32 $0x80;
	v3 =	vld [tilespmem:s8+$0x4080]  }
0xc4: {  	s11 =	sand.u32 $0x1F00, s22;
	s4 =	sand.u32 $0x60, s21;
	v4 =	vld [tilespmem:s8+$0x4000]  }
0xc5: {  	s13 =	sor.u32 s4, s11;
	(xrf1) =	vsort.ascd.msk.f32 $0xffff, v0, v0;
	v0 =	vld [tilespmem:s8+$0x4010]  }
0xc6: {  	(xrf1) =	vsort.ascd.msk.f32 $0xffff, v1, v1;
	v1 =	vld [tilespmem:s13+$0x4090]  }
0xc7: {  	(xrf1) =	vsort.ascd.msk.f32 $0xffff, v2, v2;
	v2 =	vld [tilespmem:s13+$0x4080]  }
0xc8: {  	(xrf1) =	vsort.ascd.msk.f32 $0xffff, v3, v3;
	v3 =	vld [tilespmem:s13+$0x4000]  }
0xc9: {  	(xrf1) =	vsort.ascd.msk.f32 $0xffff, v4, v4;
	v4 =	vld [tilespmem:s13+$0x4010]  }
0xca: {  	(xrf1) =	vsort.ascd.msk.f32 $0xffff, v0, v0  }
0xcb: {  	(xrf1) =	vsort.ascd.msk.f32 $0xffff, v1, v1  }
0xcc: {  	(xrf1) =	vsort.ascd.msk.f32 $0xffff, v2, v2  }
0xcd: {  	(xrf1) =	vsort.ascd.msk.f32 $0xffff, v3, v3  }
0xce: {  	v3, _, _ =	vpop (xrf1);
	(xrf1) =	vsort.ascd.msk.f32 $0xffff, v4, v4;
	_ =	sdelay $0x1  }
0xcf: {  	s22 =	simm.s32 $0xC0;
	s21 =	simm.s32 $0x60  }
0xd0: {  	s6 =	sand.u32 $0x1F00, s22;
	s5 =	sand.u32 $0x60, s21  }
0xd1: {  	s4 =	sor.u32 s5, s6  }
0xd2: {  	v0 =	vld [tilespmem:s4+$0x4090]  }
0xd3: {  	v1 =	vld [tilespmem:s4+$0x4080]  }
0xd4: {  	v2 =	vld [tilespmem:s4+$0x4000];
	[tilespmem:s30+$0xC090] =	vst v3;
	v3, _, _ =	vpop (xrf1)  }
.LBB2_7:
0xd5: {  	s21 =	sadd.s32 $0x20, s21  }
0xd6: {  	v4 =	vld [tilespmem:s4+$0x4010];
	s22 =	sadd.s32 $0x40, s22;
	[tilespmem:s30+$0xC080] =	vst v3;
	v3, _, _ =	vpop (xrf1);
	p1 =	slt.u32 s21, $0xFE0  }
.Ltmp4:
0xd7: {  	s11 =	sand.u32 $0x60, s21;
	s5 =	sand.u32 $0x1F00, s22;
	[tilespmem:s30+$0xC000] =	vst v3;
	v3, _, _ =	vpop (xrf1);
	(pc) =	sbr.rel @p1 .LBB2_7-.Ltmp4, $4  }
0xd8: {  	s5 =	sor.u32 s11, s5;
	(xrf1) =	vsort.ascd.msk.f32 $0xffff, v0, v0;
	[tilespmem:s30+$0xC010] =	vst v3;
	s30 =	smov.u32 s8  }
0xd9: {  	s8 =	smov.u32 s13;
	s13 =	smov.u32 s4;
	v0 =	vld [tilespmem:s5+$0x4090];
	(xrf1) =	vsort.ascd.msk.f32 $0xffff, v1, v1;
	s4 =	smov.u32 s5  }
0xda: {  	v1 =	vld [tilespmem:s4+$0x4080];
	(xrf1) =	vsort.ascd.msk.f32 $0xffff, v2, v2;
	v3, _, _ =	vpop (xrf1)  }
0xdb: {  	v2 =	vld [tilespmem:s4+$0x4000];
	(xrf1) =	vsort.ascd.msk.f32 $0xffff, v4, v4;
	[tilespmem:s30+$0xC090] =	vst v3;
	v3, _, _ =	vpop (xrf1)  }
0xdc: {  	v4 =	vld [tilespmem:s4+$0x4010];
	_ =	sdelay $0x1  }
0xdd: {  	(xrf1) =	vsort.ascd.msk.f32 $0xffff, v0, v0  }
0xde: {  	(xrf1) =	vsort.ascd.msk.f32 $0xffff, v1, v1  }
0xdf: {  	(xrf1) =	vsort.ascd.msk.f32 $0xffff, v2, v2  }
0xe0: {  	(xrf1) =	vsort.ascd.msk.f32 $0xffff, v4, v4  }
0xe1: {  	[tilespmem:s30+$0xC080] =	vst v3;
	v0, _, _ =	vpop (xrf1)  }
0xe2: {  	v1, _, _ =	vpop (xrf1);
	[tilespmem:s30+$0xC000] =	vst v0  }
0xe3: {  	v0, _, _ =	vpop (xrf1);
	[tilespmem:s30+$0xC010] =	vst v1  }
0xe4: {  	[tilespmem:s8+$0xC090] =	vst v0;
	v0, _, _ =	vpop (xrf1)  }
0xe5: {  	[tilespmem:s8+$0xC080] =	vst v0;
	v0, _, _ =	vpop (xrf1)  }
0xe6: {  	[tilespmem:s8+$0xC000] =	vst v0;
	v0, _, _ =	vpop (xrf1)  }
0xe7: {  	[tilespmem:s8+$0xC010] =	vst v0;
	v0, _, _ =	vpop (xrf1)  }
0xe8: {  	[tilespmem:s13+$0xC090] =	vst v0;
	v0, _, _ =	vpop (xrf1)  }
0xe9: {  	[tilespmem:s13+$0xC080] =	vst v0;
	v0, _, _ =	vpop (xrf1)  }
0xea: {  	[tilespmem:s13+$0xC000] =	vst v0;
	v0, _, _ =	vpop (xrf1)  }
0xeb: {  	[tilespmem:s13+$0xC010] =	vst v0;
	v0, _, _ =	vpop (xrf1)  }
0xec: {  	[tilespmem:s4+$0xC090] =	vst v0;
	v0, _, _ =	vpop (xrf1)  }
0xed: {  	[tilespmem:s4+$0xC080] =	vst v0;
	v0, _, _ =	vpop (xrf1)  }
0xee: {  	[tilespmem:s4+$0xC000] =	vst v0;
	v0, _, _ =	vpop (xrf1)  }
0xef: {  	[tilespmem:s4+$0xC010] =	vst v0  }
0xf0: {  	s4 =	rddreg [dreg:$0xb]  }
0xf1: {  	s5 =	simm.s32 $0xC000;
	s30 =	sor.u32 $0x1040, s9;
	s4 =	sadd.s32 s28, s4  }
0xf2: {  	[hbm4b:s4+s19] =	stream.strided.scatter [tilespmem:s5], [sflag:$0x7], $0x2000, s20, s19, $0x38;
	[tilespmem:$0x18000] =	vst v63  }
0xf3: {  	s21 =	simm.s32 $0x4000;
	s13 =	sadd.s32 s2, s30  }
0xf4: {  	[tilespmem:s21], [sflag:$0x3] =	stream.strided.gather [hbm4b:s13+s19], $0x2000, s20, s19, $0x38;
	[tilespmem:$0x18000] =	vst v63  }
0xf5: {  	_ =	swait.ge [sflag:s31], $0x2000  }
0xf6: {  	[sflag:s31] =	ssyncset.done $0x0  }
0xf7: {  	s4 =	simm.s32 @!p0 $0x8;
	[sflag:s31] =	ssyncadd.s32 $0xFFFFE000  }
0xf8: {  	s22 =	simm.s32 $0x0;
	s6 =	simm.s32 $0x0;
	_ =	swait.ge @!p0 [sflag:s4], $0x2000  }
0xf9: {  	s8 =	sand.u32 $0x60, s6;
	s5 =	sand.u32 $0x1F00, s22;
	[sflag:s4] =	ssyncset.done @!p0 $0x0  }
0xfa: {  	s13 =	sor.u32 s8, s5;
	[sflag:s4] =	ssyncadd.s32 @!p0 $0xFFFFE000  }
0xfb: {  	v0 =	vld [tilespmem:s13+$0x6090]  }
0xfc: {  	v1 =	vld [tilespmem:s13+$0x6080];
	_ =	sdelay $0x2  }
0xfd: {  	s11 =	simm.s32 $0x40;
	s8 =	simm.s32 $0x20  }
0xfe: {  	s5 =	sand.u32 $0x1F00, s11;
	s4 =	sand.u32 $0x60, s8;
	(xrf1) =	vsort.ascd.msk.f32 $0xffff, v0, v0;
	v0 =	vld [tilespmem:s13+$0x6000]  }
0xff: {  	s4 =	sor.u32 s4, s5;
	(xrf1) =	vsort.ascd.msk.f32 $0xffff, v1, v1;
	v1 =	vld [tilespmem:s13+$0x6010]  }
0x100: {  	v2 =	vld [tilespmem:s4+$0x6090]  }
0x101: {  	s22 =	simm.s32 $0x80;
	s21 =	simm.s32 $0x40;
	v3 =	vld [tilespmem:s4+$0x6080]  }
0x102: {  	s8 =	sand.u32 $0x1F00, s22;
	s5 =	sand.u32 $0x60, s21;
	v4 =	vld [tilespmem:s4+$0x6000]  }
0x103: {  	s8 =	sor.u32 s5, s8;
	(xrf1) =	vsort.ascd.msk.f32 $0xffff, v0, v0;
	v0 =	vld [tilespmem:s4+$0x6010]  }
0x104: {  	(xrf1) =	vsort.ascd.msk.f32 $0xffff, v1, v1;
	v1 =	vld [tilespmem:s8+$0x6090]  }
0x105: {  	(xrf1) =	vsort.ascd.msk.f32 $0xffff, v2, v2;
	v2 =	vld [tilespmem:s8+$0x6080]  }
0x106: {  	(xrf1) =	vsort.ascd.msk.f32 $0xffff, v3, v3;
	v3 =	vld [tilespmem:s8+$0x6000]  }
0x107: {  	(xrf1) =	vsort.ascd.msk.f32 $0xffff, v4, v4;
	v4 =	vld [tilespmem:s8+$0x6010]  }
0x108: {  	(xrf1) =	vsort.ascd.msk.f32 $0xffff, v0, v0  }
0x109: {  	(xrf1) =	vsort.ascd.msk.f32 $0xffff, v1, v1  }
0x10a: {  	(xrf1) =	vsort.ascd.msk.f32 $0xffff, v2, v2  }
0x10b: {  	(xrf1) =	vsort.ascd.msk.f32 $0xffff, v3, v3  }
0x10c: {  	v3, _, _ =	vpop (xrf1);
	(xrf1) =	vsort.ascd.msk.f32 $0xffff, v4, v4;
	_ =	sdelay $0x1  }
0x10d: {  	s11 =	simm.s32 $0xC0;
	s22 =	simm.s32 $0x60  }
0x10e: {  	s6 =	sand.u32 $0x60, s22;
	s21 =	sand.u32 $0x1F00, s11  }
0x10f: {  	s21 =	sor.u32 s6, s21  }
0x110: {  	v0 =	vld [tilespmem:s21+$0x6090]  }
0x111: {  	v1 =	vld [tilespmem:s21+$0x6080]  }
0x112: {  	v2 =	vld [tilespmem:s21+$0x6000];
	[tilespmem:s13+$0xE090] =	vst v3;
	v3, _, _ =	vpop (xrf1)  }
.LBB2_9:
0x113: {  	s22 =	sadd.s32 $0x20, s22  }
0x114: {  	v4 =	vld [tilespmem:s21+$0x6010];
	s11 =	sadd.s32 $0x40, s11;
	[tilespmem:s13+$0xE080] =	vst v3;
	v3, _, _ =	vpop (xrf1);
	p1 =	slt.u32 s22, $0xFE0  }
.Ltmp5:
0x115: {  	s5 =	sand.u32 $0x60, s22;
	s6 =	sand.u32 $0x1F00, s11;
	[tilespmem:s13+$0xE000] =	vst v3;
	v3, _, _ =	vpop (xrf1);
	(pc) =	sbr.rel @p1 .LBB2_9-.Ltmp5, $4  }
0x116: {  	s5 =	sor.u32 s5, s6;
	(xrf1) =	vsort.ascd.msk.f32 $0xffff, v0, v0;
	[tilespmem:s13+$0xE010] =	vst v3;
	s13 =	smov.u32 s4  }
0x117: {  	s4 =	smov.u32 s8;
	s8 =	smov.u32 s21;
	v0 =	vld [tilespmem:s5+$0x6090];
	(xrf1) =	vsort.ascd.msk.f32 $0xffff, v1, v1;
	s21 =	smov.u32 s5  }
0x118: {  	v1 =	vld [tilespmem:s21+$0x6080];
	(xrf1) =	vsort.ascd.msk.f32 $0xffff, v2, v2;
	v3, _, _ =	vpop (xrf1)  }
0x119: {  	v2 =	vld [tilespmem:s21+$0x6000];
	(xrf1) =	vsort.ascd.msk.f32 $0xffff, v4, v4;
	[tilespmem:s13+$0xE090] =	vst v3;
	v3, _, _ =	vpop (xrf1)  }
0x11a: {  	v4 =	vld [tilespmem:s21+$0x6010];
	_ =	sdelay $0x1  }
0x11b: {  	(xrf1) =	vsort.ascd.msk.f32 $0xffff, v0, v0  }
0x11c: {  	(xrf1) =	vsort.ascd.msk.f32 $0xffff, v1, v1  }
0x11d: {  	(xrf1) =	vsort.ascd.msk.f32 $0xffff, v2, v2  }
0x11e: {  	(xrf1) =	vsort.ascd.msk.f32 $0xffff, v4, v4  }
0x11f: {  	[tilespmem:s13+$0xE080] =	vst v3;
	v0, _, _ =	vpop (xrf1)  }
0x120: {  	v1, _, _ =	vpop (xrf1);
	[tilespmem:s13+$0xE000] =	vst v0  }
0x121: {  	v0, _, _ =	vpop (xrf1);
	[tilespmem:s13+$0xE010] =	vst v1  }
0x122: {  	[tilespmem:s4+$0xE090] =	vst v0;
	v0, _, _ =	vpop (xrf1)  }
0x123: {  	[tilespmem:s4+$0xE080] =	vst v0;
	v0, _, _ =	vpop (xrf1)  }
0x124: {  	[tilespmem:s4+$0xE000] =	vst v0;
	v0, _, _ =	vpop (xrf1)  }
0x125: {  	[tilespmem:s4+$0xE010] =	vst v0;
	v0, _, _ =	vpop (xrf1)  }
0x126: {  	[tilespmem:s8+$0xE090] =	vst v0;
	v0, _, _ =	vpop (xrf1)  }
0x127: {  	[tilespmem:s8+$0xE080] =	vst v0;
	v0, _, _ =	vpop (xrf1)  }
0x128: {  	[tilespmem:s8+$0xE000] =	vst v0;
	v0, _, _ =	vpop (xrf1)  }
0x129: {  	[tilespmem:s8+$0xE010] =	vst v0;
	v0, _, _ =	vpop (xrf1)  }
0x12a: {  	[tilespmem:s21+$0xE090] =	vst v0;
	v0, _, _ =	vpop (xrf1)  }
0x12b: {  	[tilespmem:s21+$0xE080] =	vst v0;
	v0, _, _ =	vpop (xrf1)  }
0x12c: {  	[tilespmem:s21+$0xE000] =	vst v0;
	v0, _, _ =	vpop (xrf1)  }
0x12d: {  	s5 =	simm.s32 $0xE000;
	s13 =	sadd.s32 s28, s16;
	s28 =	sor.u32 $0x1060, s9;
	[tilespmem:s21+$0xE010] =	vst v0  }
0x12e: {  	[hbm4b:s13+s19] =	stream.strided.scatter [tilespmem:s5], [sflag:$0x8], $0x2000, s20, s19, $0x38;
	[tilespmem:$0x18000] =	vst v63  }
0x12f: {  	s21 =	sadd.s32 s2, s28  }
0x130: {  	[tilespmem:s23], [sflag:$0x4] =	stream.strided.gather [hbm4b:s21+s19], $0x2000, s20, s19, $0x38;
	[tilespmem:$0x18000] =	vst v63  }
0x131: {  	_ =	swait.ge [sflag:s24], $0x2000  }
0x132: {  	[sflag:s24] =	ssyncset.done $0x0  }
0x133: {  	s4 =	simm.s32 @!p0 $0x9;
	[sflag:s24] =	ssyncadd.s32 $0xFFFFE000  }
0x134: {  	s22 =	simm.s32 $0x0;
	s6 =	simm.s32 $0x0;
	_ =	swait.ge @!p0 [sflag:s4], $0x2000  }
0x135: {  	s6 =	sand.u32 $0x60, s6;
	s5 =	sand.u32 $0x1F00, s22;
	[sflag:s4] =	ssyncset.done @!p0 $0x0  }
0x136: {  	s9 =	sor.u32 s6, s5;
	[sflag:s4] =	ssyncadd.s32 @!p0 $0xFFFFE000  }
0x137: {  	v0 =	vld [tilespmem:s9+$0x90]  }
0x138: {  	v1 =	vld [tilespmem:s9+$0x80];
	_ =	sdelay $0x2  }
0x139: {  	s5 =	simm.s32 $0x20;
	s6 =	simm.s32 $0x40  }
0x13a: {  	s4 =	sand.u32 $0x60, s5;
	s5 =	sand.u32 $0x1F00, s6;
	(xrf1) =	vsort.ascd.msk.f32 $0xffff, v0, v0;
	v0 =	vld [tilespmem:s9+$0x0]  }
0x13b: {  	s4 =	sor.u32 s4, s5;
	(xrf1) =	vsort.ascd.msk.f32 $0xffff, v1, v1;
	v1 =	vld [tilespmem:s9+$0x10]  }
0x13c: {  	v2 =	vld [tilespmem:s4+$0x90]  }
0x13d: {  	s11 =	simm.s32 $0x80;
	s8 =	simm.s32 $0x40;
	v3 =	vld [tilespmem:s4+$0x80]  }
0x13e: {  	s6 =	sand.u32 $0x1F00, s11;
	s5 =	sand.u32 $0x60, s8;
	v4 =	vld [tilespmem:s4+$0x0]  }
0x13f: {  	s8 =	sor.u32 s5, s6;
	(xrf1) =	vsort.ascd.msk.f32 $0xffff, v0, v0;
	v0 =	vld [tilespmem:s4+$0x10]  }
0x140: {  	(xrf1) =	vsort.ascd.msk.f32 $0xffff, v1, v1;
	v1 =	vld [tilespmem:s8+$0x90]  }
0x141: {  	(xrf1) =	vsort.ascd.msk.f32 $0xffff, v2, v2;
	v2 =	vld [tilespmem:s8+$0x80]  }
0x142: {  	(xrf1) =	vsort.ascd.msk.f32 $0xffff, v3, v3;
	v3 =	vld [tilespmem:s8+$0x0]  }
0x143: {  	(xrf1) =	vsort.ascd.msk.f32 $0xffff, v4, v4;
	v4 =	vld [tilespmem:s8+$0x10]  }
0x144: {  	(xrf1) =	vsort.ascd.msk.f32 $0xffff, v0, v0  }
0x145: {  	(xrf1) =	vsort.ascd.msk.f32 $0xffff, v1, v1  }
0x146: {  	(xrf1) =	vsort.ascd.msk.f32 $0xffff, v2, v2  }
0x147: {  	(xrf1) =	vsort.ascd.msk.f32 $0xffff, v3, v3  }
0x148: {  	v3, _, _ =	vpop (xrf1);
	(xrf1) =	vsort.ascd.msk.f32 $0xffff, v4, v4;
	_ =	sdelay $0x1  }
0x149: {  	s21 =	simm.s32 $0x60;
	s11 =	simm.s32 $0xC0  }
0x14a: {  	s13 =	sand.u32 $0x60, s21;
	s22 =	sand.u32 $0x1F00, s11  }
0x14b: {  	s13 =	sor.u32 s13, s22  }
0x14c: {  	v0 =	vld [tilespmem:s13+$0x90]  }
0x14d: {  	v1 =	vld [tilespmem:s13+$0x80]  }
0x14e: {  	v2 =	vld [tilespmem:s13+$0x0];
	[tilespmem:s9+$0x10090] =	vst v3;
	v3, _, _ =	vpop (xrf1)  }
.LBB2_11:
0x14f: {  	s21 =	sadd.s32 $0x20, s21  }
0x150: {  	v4 =	vld [tilespmem:s13+$0x10];
	s11 =	sadd.s32 $0x40, s11;
	[tilespmem:s9+$0x10080] =	vst v3;
	v3, _, _ =	vpop (xrf1);
	p1 =	slt.u32 s21, $0xFE0  }
.Ltmp6:
0x151: {  	s5 =	sand.u32 $0x60, s21;
	s6 =	sand.u32 $0x1F00, s11;
	[tilespmem:s9+$0x10000] =	vst v3;
	v3, _, _ =	vpop (xrf1);
	(pc) =	sbr.rel @p1 .LBB2_11-.Ltmp6, $4  }
0x152: {  	s5 =	sor.u32 s5, s6;
	(xrf1) =	vsort.ascd.msk.f32 $0xffff, v0, v0;
	[tilespmem:s9+$0x10010] =	vst v3;
	s9 =	smov.u32 s4  }
0x153: {  	s4 =	smov.u32 s8;
	s8 =	smov.u32 s13;
	v0 =	vld [tilespmem:s5+$0x90];
	(xrf1) =	vsort.ascd.msk.f32 $0xffff, v1, v1;
	s13 =	smov.u32 s5  }
0x154: {  	v1 =	vld [tilespmem:s13+$0x80];
	(xrf1) =	vsort.ascd.msk.f32 $0xffff, v2, v2;
	v3, _, _ =	vpop (xrf1)  }
0x155: {  	v2 =	vld [tilespmem:s13+$0x0];
	(xrf1) =	vsort.ascd.msk.f32 $0xffff, v4, v4;
	[tilespmem:s9+$0x10090] =	vst v3;
	v3, _, _ =	vpop (xrf1)  }
0x156: {  	v4 =	vld [tilespmem:s13+$0x10];
	_ =	sdelay $0x1  }
0x157: {  	(xrf1) =	vsort.ascd.msk.f32 $0xffff, v0, v0  }
0x158: {  	(xrf1) =	vsort.ascd.msk.f32 $0xffff, v1, v1  }
0x159: {  	(xrf1) =	vsort.ascd.msk.f32 $0xffff, v2, v2  }
0x15a: {  	(xrf1) =	vsort.ascd.msk.f32 $0xffff, v4, v4  }
0x15b: {  	v50, _, _ =	vpop (xrf1);
	[tilespmem:s9+$0x10080] =	vst v3  }
0x15c: {  	v51, _, _ =	vpop (xrf1);
	[tilespmem:s9+$0x10000] =	vst v50  }
0x15d: {  	v52, _, _ =	vpop (xrf1);
	[tilespmem:s9+$0x10010] =	vst v51  }
0x15e: {  	[tilespmem:s4+$0x10090] =	vst v52;
	v53, _, _ =	vpop (xrf1)  }
0x15f: {  	[tilespmem:s4+$0x10080] =	vst v53;
	v54, _, _ =	vpop (xrf1)  }
0x160: {  	[tilespmem:s4+$0x10000] =	vst v54;
	v55, _, _ =	vpop (xrf1)  }
0x161: {  	[tilespmem:s4+$0x10010] =	vst v55;
	v56, _, _ =	vpop (xrf1)  }
0x162: {  	[tilespmem:s8+$0x10090] =	vst v56;
	v57, _, _ =	vpop (xrf1)  }
0x163: {  	[tilespmem:s8+$0x10080] =	vst v57;
	v58, _, _ =	vpop (xrf1)  }
0x164: {  	[tilespmem:s8+$0x10000] =	vst v58;
	v59, _, _ =	vpop (xrf1)  }
0x165: {  	p1 =	sne.s32 s10, $0x1F;
	[tilespmem:s8+$0x10010] =	vst v59;
	v60, _, _ =	vpop (xrf1)  }
.Ltmp7:
0x166: {  	[tilespmem:s13+$0x10090] =	vst v60;
	v61, _, _ =	vpop (xrf1);
	(pc) =	sbr.rel @p1 .LBB2_14-.Ltmp7, $4  }
0x167: {  	[tilespmem:s13+$0x10080] =	vst v61;
	v62, _, _ =	vpop (xrf1)  }
0x168: {  	[tilespmem:s13+$0x10000] =	vst v62;
	v63, _, _ =	vpop (xrf1)  }
0x169: {  	s1 =	sadd.s32 s3, s1;
	s22 =	simm.s32 $0x10000;
	[tilespmem:s13+$0x10010] =	vst v63  }
0x16a: {  	[hbm4b:s1+s19] =	stream.strided.scatter [tilespmem:s22], [sflag:$0x9], $0x2000, s20, s19, $0x38;
	[tilespmem:$0x18000] =	vst v63  }
.Ltmp8:
0x16b: {  	(pc) =	sbr.rel .LBB2_15-.Ltmp8, $4  }
0x16c: {  	_ = 	snop  }
0x16d: {  	_ =	swait.ge [sflag:s26], $0x2000  }
0x16e: {  	[sflag:s26] =	ssyncset.done $0x0  }
0x16f: {  	[sflag:s26] =	ssyncadd.s32 $0xFFFFE000  }
.LBB2_14:
0x170: {  	s1 =	sadd.s32 s25, s17  }
0x171: {  	s1 =	sshll.u32 s1, $0x9  }
.Ltmp9:
0x172: {  	s4 =	simm.s32 $0x0;
	s1 =	sadd.s32 s2, s1;
	(pc) =	sbr.rel @p0 .LBB2_16-.Ltmp9, $4  }
0x173: {  	[tilespmem:s4], [sflag:$0x1] =	stream.strided.gather [hbm4b:s1+s19], $0x2000, s20, s19, $0x38;
	[tilespmem:$0x18000] =	vst v63  }
0x174: {  	_ =	swait.ge [sflag:s26], $0x2000  }
0x175: {  	[sflag:s26] =	ssyncset.done $0x0  }
0x176: {  	[sflag:s26] =	ssyncadd.s32 $0xFFFFE000  }
.LBB2_15:
0x177: {  	_ =	swait.ge [sflag:s7], $0x2000  }
0x178: {  	[sflag:s7] =	ssyncset.done $0x0  }
0x179: {  	[sflag:s7] =	ssyncadd.s32 $0xFFFFE000  }
.LBB2_16:
0x17a: {  	s1 =	simm.s32 $0x0;
	s4 =	simm.s32 $0x0  }
0x17b: {  	s4 =	sand.u32 $0x60, s4;
	s1 =	sand.u32 $0x1F00, s1  }
0x17c: {  	s1 =	sor.u32 s4, s1  }
0x17d: {  	v0 =	vld [tilespmem:s1+$0x2090]  }
0x17e: {  	v1 =	vld [tilespmem:s1+$0x2080];
	_ =	sdelay $0x2  }
0x17f: {  	s11 =	simm.s32 $0x20;
	s5 =	simm.s32 $0x40  }
0x180: {  	s5 =	sand.u32 $0x1F00, s5;
	s4 =	sand.u32 $0x60, s11;
	(xrf1) =	vsort.ascd.msk.f32 $0xffff, v0, v0;
	v0 =	vld [tilespmem:s1+$0x2000]  }
0x181: {  	s4 =	sor.u32 s4, s5;
	(xrf1) =	vsort.ascd.msk.f32 $0xffff, v1, v1;
	v1 =	vld [tilespmem:s1+$0x2010]  }
0x182: {  	v2 =	vld [tilespmem:s4+$0x2090]  }
0x183: {  	s13 =	simm.s32 $0x40;
	s6 =	simm.s32 $0x80;
	v3 =	vld [tilespmem:s4+$0x2080]  }
0x184: {  	s6 =	sand.u32 $0x1F00, s6;
	s5 =	sand.u32 $0x60, s13;
	v4 =	vld [tilespmem:s4+$0x2000]  }
0x185: {  	s8 =	sor.u32 s5, s6;
	(xrf1) =	vsort.ascd.msk.f32 $0xffff, v0, v0;
	v0 =	vld [tilespmem:s4+$0x2010]  }
0x186: {  	(xrf1) =	vsort.ascd.msk.f32 $0xffff, v1, v1;
	v1 =	vld [tilespmem:s8+$0x2090]  }
0x187: {  	(xrf1) =	vsort.ascd.msk.f32 $0xffff, v2, v2;
	v2 =	vld [tilespmem:s8+$0x2080]  }
0x188: {  	(xrf1) =	vsort.ascd.msk.f32 $0xffff, v3, v3;
	v3 =	vld [tilespmem:s8+$0x2000]  }
0x189: {  	(xrf1) =	vsort.ascd.msk.f32 $0xffff, v4, v4;
	v4 =	vld [tilespmem:s8+$0x2010]  }
0x18a: {  	(xrf1) =	vsort.ascd.msk.f32 $0xffff, v0, v0  }
0x18b: {  	(xrf1) =	vsort.ascd.msk.f32 $0xffff, v1, v1  }
0x18c: {  	(xrf1) =	vsort.ascd.msk.f32 $0xffff, v2, v2  }
0x18d: {  	(xrf1) =	vsort.ascd.msk.f32 $0xffff, v3, v3  }
0x18e: {  	v3, _, _ =	vpop (xrf1);
	(xrf1) =	vsort.ascd.msk.f32 $0xffff, v4, v4;
	_ =	sdelay $0x1  }
0x18f: {  	s11 =	simm.s32 $0xC0;
	s13 =	simm.s32 $0x60  }
0x190: {  	s22 =	sand.u32 $0x1F00, s11;
	s21 =	sand.u32 $0x60, s13  }
0x191: {  	s9 =	sor.u32 s21, s22  }
0x192: {  	v0 =	vld [tilespmem:s9+$0x2090]  }
0x193: {  	v1 =	vld [tilespmem:s9+$0x2080]  }
0x194: {  	v2 =	vld [tilespmem:s9+$0x2000];
	[tilespmem:s1+$0x12090] =	vst v3;
	v3, _, _ =	vpop (xrf1)  }
.LBB2_17:
0x195: {  	s13 =	sadd.s32 $0x20, s13  }
0x196: {  	v4 =	vld [tilespmem:s9+$0x2010];
	s11 =	sadd.s32 $0x40, s11;
	[tilespmem:s1+$0x12080] =	vst v3;
	v3, _, _ =	vpop (xrf1);
	p2 =	slt.u32 s13, $0xFE0  }
.Ltmp10:
0x197: {  	s5 =	sand.u32 $0x60, s13;
	s6 =	sand.u32 $0x1F00, s11;
	[tilespmem:s1+$0x12000] =	vst v3;
	v3, _, _ =	vpop (xrf1);
	(pc) =	sbr.rel @p2 .LBB2_17-.Ltmp10, $4  }
0x198: {  	s5 =	sor.u32 s5, s6;
	(xrf1) =	vsort.ascd.msk.f32 $0xffff, v0, v0;
	[tilespmem:s1+$0x12010] =	vst v3;
	s1 =	smov.u32 s4  }
0x199: {  	s4 =	smov.u32 s8;
	s8 =	smov.u32 s9;
	v0 =	vld [tilespmem:s5+$0x2090];
	(xrf1) =	vsort.ascd.msk.f32 $0xffff, v1, v1;
	s9 =	smov.u32 s5  }
0x19a: {  	v1 =	vld [tilespmem:s9+$0x2080];
	(xrf1) =	vsort.ascd.msk.f32 $0xffff, v2, v2;
	v3, _, _ =	vpop (xrf1)  }
0x19b: {  	v2 =	vld [tilespmem:s9+$0x2000];
	(xrf1) =	vsort.ascd.msk.f32 $0xffff, v4, v4;
	[tilespmem:s1+$0x12090] =	vst v3;
	v3, _, _ =	vpop (xrf1)  }
0x19c: {  	v4 =	vld [tilespmem:s9+$0x2010];
	_ =	sdelay $0x1  }
0x19d: {  	(xrf1) =	vsort.ascd.msk.f32 $0xffff, v0, v0  }
0x19e: {  	(xrf1) =	vsort.ascd.msk.f32 $0xffff, v1, v1  }
0x19f: {  	(xrf1) =	vsort.ascd.msk.f32 $0xffff, v2, v2  }
0x1a0: {  	(xrf1) =	vsort.ascd.msk.f32 $0xffff, v4, v4  }
0x1a1: {  	v50, _, _ =	vpop (xrf1);
	[tilespmem:s1+$0x12080] =	vst v3  }
0x1a2: {  	v51, _, _ =	vpop (xrf1);
	[tilespmem:s1+$0x12000] =	vst v50  }
0x1a3: {  	v52, _, _ =	vpop (xrf1);
	[tilespmem:s1+$0x12010] =	vst v51  }
0x1a4: {  	[tilespmem:s4+$0x12090] =	vst v52;
	v53, _, _ =	vpop (xrf1)  }
0x1a5: {  	[tilespmem:s4+$0x12080] =	vst v53;
	v54, _, _ =	vpop (xrf1)  }
0x1a6: {  	[tilespmem:s4+$0x12000] =	vst v54;
	v55, _, _ =	vpop (xrf1)  }
0x1a7: {  	[tilespmem:s4+$0x12010] =	vst v55;
	v56, _, _ =	vpop (xrf1)  }
0x1a8: {  	[tilespmem:s8+$0x12090] =	vst v56;
	v57, _, _ =	vpop (xrf1)  }
0x1a9: {  	[tilespmem:s8+$0x12080] =	vst v57;
	v58, _, _ =	vpop (xrf1)  }
0x1aa: {  	[tilespmem:s8+$0x12000] =	vst v58;
	v59, _, _ =	vpop (xrf1)  }
0x1ab: {  	[tilespmem:s8+$0x12010] =	vst v59;
	v60, _, _ =	vpop (xrf1)  }
.Ltmp11:
0x1ac: {  	[tilespmem:s9+$0x12090] =	vst v60;
	v61, _, _ =	vpop (xrf1);
	(pc) =	sbr.rel @p1 .LBB2_20-.Ltmp11, $4  }
0x1ad: {  	[tilespmem:s9+$0x12080] =	vst v61;
	v62, _, _ =	vpop (xrf1)  }
0x1ae: {  	[tilespmem:s9+$0x12000] =	vst v62;
	v63, _, _ =	vpop (xrf1)  }
0x1af: {  	s0 =	sadd.s32 s3, s0;
	s22 =	simm.s32 $0x12000;
	[tilespmem:s9+$0x12010] =	vst v63  }
0x1b0: {  	[hbm4b:s0+s19] =	stream.strided.scatter [tilespmem:s22], [sflag:$0xA], $0x2000, s20, s19, $0x38;
	[tilespmem:$0x18000] =	vst v63  }
.Ltmp12:
0x1b1: {  	(pc) =	sbr.rel .LBB2_21-.Ltmp12, $4  }
0x1b2: {  	_ = 	snop  }
0x1b3: {  	_ =	swait.ge [sflag:s29], $0x2000  }
0x1b4: {  	[sflag:s29] =	ssyncset.done $0x0  }
0x1b5: {  	[sflag:s29] =	ssyncadd.s32 $0xFFFFE000  }
.LBB2_20:
0x1b6: {  	s0 =	sadd.s32 s25, s17  }
0x1b7: {  	s0 =	sshll.u32 s0, $0x9  }
0x1b8: {  	s1 =	rddreg [dreg:$0x4];
	s0 =	sand.u32 $0xFFE000, s0  }
.Ltmp13:
0x1b9: {  	s22 =	simm.s32 $0x2000;
	s0 =	sadd.s32 s0, s1;
	(pc) =	sbr.rel @p0 .LBB2_22-.Ltmp13, $4  }
0x1ba: {  	[tilespmem:s22], [sflag:$0x2] =	stream.strided.gather [hbm4b:s0+s19], $0x2000, s20, s19, $0x38;
	[tilespmem:$0x18000] =	vst v63  }
0x1bb: {  	_ =	swait.ge [sflag:s29], $0x2000  }
0x1bc: {  	[sflag:s29] =	ssyncset.done $0x0  }
0x1bd: {  	[sflag:s29] =	ssyncadd.s32 $0xFFFFE000  }
.LBB2_21:
0x1be: {  	_ =	swait.ge [sflag:s12], $0x2000  }
0x1bf: {  	[sflag:s12] =	ssyncset.done $0x0  }
0x1c0: {  	[sflag:s12] =	ssyncadd.s32 $0xFFFFE000  }
.LBB2_22:
0x1c1: {  	s0 =	simm.s32 $0x0;
	s1 =	simm.s32 $0x0  }
0x1c2: {  	s1 =	sand.u32 $0x60, s1;
	s0 =	sand.u32 $0x1F00, s0  }
0x1c3: {  	s0 =	sor.u32 s1, s0  }
0x1c4: {  	v0 =	vld [tilespmem:s0+$0x4090]  }
0x1c5: {  	v1 =	vld [tilespmem:s0+$0x4080];
	_ =	sdelay $0x2  }
0x1c6: {  	s13 =	simm.s32 $0x20;
	s4 =	simm.s32 $0x40  }
0x1c7: {  	s4 =	sand.u32 $0x1F00, s4;
	s1 =	sand.u32 $0x60, s13;
	(xrf1) =	vsort.ascd.msk.f32 $0xffff, v0, v0;
	v0 =	vld [tilespmem:s0+$0x4000]  }
0x1c8: {  	s4 =	sor.u32 s1, s4;
	(xrf1) =	vsort.ascd.msk.f32 $0xffff, v1, v1;
	v1 =	vld [tilespmem:s0+$0x4010]  }
0x1c9: {  	v2 =	vld [tilespmem:s4+$0x4090]  }
0x1ca: {  	s21 =	simm.s32 $0x40;
	s5 =	simm.s32 $0x80;
	v3 =	vld [tilespmem:s4+$0x4080]  }
0x1cb: {  	s5 =	sand.u32 $0x1F00, s5;
	s1 =	sand.u32 $0x60, s21;
	v4 =	vld [tilespmem:s4+$0x4000]  }
0x1cc: {  	s1 =	sor.u32 s1, s5;
	(xrf1) =	vsort.ascd.msk.f32 $0xffff, v0, v0;
	v0 =	vld [tilespmem:s4+$0x4010]  }
0x1cd: {  	(xrf1) =	vsort.ascd.msk.f32 $0xffff, v1, v1;
	v1 =	vld [tilespmem:s1+$0x4090]  }
0x1ce: {  	(xrf1) =	vsort.ascd.msk.f32 $0xffff, v2, v2;
	v2 =	vld [tilespmem:s1+$0x4080]  }
0x1cf: {  	(xrf1) =	vsort.ascd.msk.f32 $0xffff, v3, v3;
	v3 =	vld [tilespmem:s1+$0x4000]  }
0x1d0: {  	(xrf1) =	vsort.ascd.msk.f32 $0xffff, v4, v4;
	v4 =	vld [tilespmem:s1+$0x4010]  }
0x1d1: {  	(xrf1) =	vsort.ascd.msk.f32 $0xffff, v0, v0  }
0x1d2: {  	(xrf1) =	vsort.ascd.msk.f32 $0xffff, v1, v1  }
0x1d3: {  	(xrf1) =	vsort.ascd.msk.f32 $0xffff, v2, v2  }
0x1d4: {  	(xrf1) =	vsort.ascd.msk.f32 $0xffff, v3, v3  }
0x1d5: {  	v3, _, _ =	vpop (xrf1);
	(xrf1) =	vsort.ascd.msk.f32 $0xffff, v4, v4;
	_ =	sdelay $0x1  }
0x1d6: {  	s9 =	simm.s32 $0x60;
	s11 =	simm.s32 $0xC0  }
0x1d7: {  	s22 =	sand.u32 $0x60, s9;
	s6 =	sand.u32 $0x1F00, s11  }
0x1d8: {  	s8 =	sor.u32 s22, s6  }
0x1d9: {  	v0 =	vld [tilespmem:s8+$0x4090]  }
0x1da: {  	v1 =	vld [tilespmem:s8+$0x4080]  }
0x1db: {  	v2 =	vld [tilespmem:s8+$0x4000];
	[tilespmem:s0+$0x14090] =	vst v3;
	v3, _, _ =	vpop (xrf1)  }
.LBB2_23:
0x1dc: {  	s9 =	sadd.s32 $0x20, s9  }
0x1dd: {  	v4 =	vld [tilespmem:s8+$0x4010];
	s11 =	sadd.s32 $0x40, s11;
	[tilespmem:s0+$0x14080] =	vst v3;
	v3, _, _ =	vpop (xrf1);
	p2 =	slt.u32 s9, $0xFE0  }
.Ltmp14:
0x1de: {  	s5 =	sand.u32 $0x60, s9;
	s6 =	sand.u32 $0x1F00, s11;
	[tilespmem:s0+$0x14000] =	vst v3;
	v3, _, _ =	vpop (xrf1);
	(pc) =	sbr.rel @p2 .LBB2_23-.Ltmp14, $4  }
0x1df: {  	s5 =	sor.u32 s5, s6;
	(xrf1) =	vsort.ascd.msk.f32 $0xffff, v0, v0;
	[tilespmem:s0+$0x14010] =	vst v3;
	s0 =	smov.u32 s4  }
0x1e0: {  	s4 =	smov.u32 s1;
	s1 =	smov.u32 s8;
	v0 =	vld [tilespmem:s5+$0x4090];
	(xrf1) =	vsort.ascd.msk.f32 $0xffff, v1, v1;
	s8 =	smov.u32 s5  }
0x1e1: {  	v1 =	vld [tilespmem:s8+$0x4080];
	(xrf1) =	vsort.ascd.msk.f32 $0xffff, v2, v2;
	v3, _, _ =	vpop (xrf1)  }
0x1e2: {  	v2 =	vld [tilespmem:s8+$0x4000];
	(xrf1) =	vsort.ascd.msk.f32 $0xffff, v4, v4;
	[tilespmem:s0+$0x14090] =	vst v3;
	v3, _, _ =	vpop (xrf1)  }
0x1e3: {  	v4 =	vld [tilespmem:s8+$0x4010];
	_ =	sdelay $0x1  }
0x1e4: {  	(xrf1) =	vsort.ascd.msk.f32 $0xffff, v0, v0  }
0x1e5: {  	(xrf1) =	vsort.ascd.msk.f32 $0xffff, v1, v1  }
0x1e6: {  	(xrf1) =	vsort.ascd.msk.f32 $0xffff, v2, v2  }
0x1e7: {  	(xrf1) =	vsort.ascd.msk.f32 $0xffff, v4, v4  }
0x1e8: {  	v50, _, _ =	vpop (xrf1);
	[tilespmem:s0+$0x14080] =	vst v3  }
0x1e9: {  	v51, _, _ =	vpop (xrf1);
	[tilespmem:s0+$0x14000] =	vst v50  }
0x1ea: {  	v52, _, _ =	vpop (xrf1);
	[tilespmem:s0+$0x14010] =	vst v51  }
0x1eb: {  	[tilespmem:s4+$0x14090] =	vst v52;
	v53, _, _ =	vpop (xrf1)  }
0x1ec: {  	[tilespmem:s4+$0x14080] =	vst v53;
	v54, _, _ =	vpop (xrf1)  }
0x1ed: {  	[tilespmem:s4+$0x14000] =	vst v54;
	v55, _, _ =	vpop (xrf1)  }
0x1ee: {  	[tilespmem:s4+$0x14010] =	vst v55;
	v56, _, _ =	vpop (xrf1)  }
0x1ef: {  	[tilespmem:s1+$0x14090] =	vst v56;
	v57, _, _ =	vpop (xrf1)  }
0x1f0: {  	[tilespmem:s1+$0x14080] =	vst v57;
	v58, _, _ =	vpop (xrf1)  }
0x1f1: {  	[tilespmem:s1+$0x14000] =	vst v58;
	v59, _, _ =	vpop (xrf1)  }
0x1f2: {  	[tilespmem:s1+$0x14010] =	vst v59;
	v60, _, _ =	vpop (xrf1)  }
.Ltmp15:
0x1f3: {  	[tilespmem:s8+$0x14090] =	vst v60;
	v61, _, _ =	vpop (xrf1);
	(pc) =	sbr.rel @p1 .LBB2_26-.Ltmp15, $4  }
0x1f4: {  	[tilespmem:s8+$0x14080] =	vst v61;
	v62, _, _ =	vpop (xrf1)  }
0x1f5: {  	[tilespmem:s8+$0x14000] =	vst v62;
	v63, _, _ =	vpop (xrf1)  }
0x1f6: {  	s22 =	sadd.s32 s3, s30;
	s30 =	simm.s32 $0x14000;
	[tilespmem:s8+$0x14010] =	vst v63  }
0x1f7: {  	[hbm4b:s22+s19] =	stream.strided.scatter [tilespmem:s30], [sflag:$0xB], $0x2000, s20, s19, $0x38;
	[tilespmem:$0x18000] =	vst v63  }
.Ltmp16:
0x1f8: {  	(pc) =	sbr.rel .LBB2_27-.Ltmp16, $4  }
0x1f9: {  	_ = 	snop  }
0x1fa: {  	_ =	swait.ge [sflag:s31], $0x2000  }
0x1fb: {  	[sflag:s31] =	ssyncset.done $0x0  }
0x1fc: {  	[sflag:s31] =	ssyncadd.s32 $0xFFFFE000  }
.LBB2_26:
0x1fd: {  	s0 =	sadd.s32 s25, s17  }
0x1fe: {  	s0 =	sshll.u32 s0, $0x9  }
0x1ff: {  	s1 =	rddreg [dreg:$0x6];
	s0 =	sand.u32 $0xFFE000, s0  }
.Ltmp17:
0x200: {  	s30 =	simm.s32 $0x4000;
	s0 =	sadd.s32 s0, s1;
	(pc) =	sbr.rel @p0 .LBB2_28-.Ltmp17, $4  }
0x201: {  	[tilespmem:s30], [sflag:$0x3] =	stream.strided.gather [hbm4b:s0+s19], $0x2000, s20, s19, $0x38;
	[tilespmem:$0x18000] =	vst v63  }
0x202: {  	_ =	swait.ge [sflag:s31], $0x2000  }
0x203: {  	[sflag:s31] =	ssyncset.done $0x0  }
0x204: {  	[sflag:s31] =	ssyncadd.s32 $0xFFFFE000  }
.LBB2_27:
0x205: {  	_ =	swait.ge [sflag:s18], $0x2000  }
0x206: {  	[sflag:s18] =	ssyncset.done $0x0  }
0x207: {  	[sflag:s18] =	ssyncadd.s32 $0xFFFFE000  }
.LBB2_28:
0x208: {  	s0 =	simm.s32 $0x0;
	s1 =	simm.s32 $0x0  }
0x209: {  	s1 =	sand.u32 $0x60, s1;
	s0 =	sand.u32 $0x1F00, s0  }
0x20a: {  	s0 =	sor.u32 s1, s0  }
0x20b: {  	v0 =	vld [tilespmem:s0+$0x6090]  }
0x20c: {  	v1 =	vld [tilespmem:s0+$0x6080];
	_ =	sdelay $0x2  }
0x20d: {  	s21 =	simm.s32 $0x20;
	s4 =	simm.s32 $0x40  }
0x20e: {  	s4 =	sand.u32 $0x1F00, s4;
	s1 =	sand.u32 $0x60, s21;
	(xrf1) =	vsort.ascd.msk.f32 $0xffff, v0, v0;
	v0 =	vld [tilespmem:s0+$0x6000]  }
0x20f: {  	s4 =	sor.u32 s1, s4;
	(xrf1) =	vsort.ascd.msk.f32 $0xffff, v1, v1;
	v1 =	vld [tilespmem:s0+$0x6010]  }
0x210: {  	v2 =	vld [tilespmem:s4+$0x6090]  }
0x211: {  	s22 =	simm.s32 $0x40;
	s5 =	simm.s32 $0x80;
	v3 =	vld [tilespmem:s4+$0x6080]  }
0x212: {  	s5 =	sand.u32 $0x1F00, s5;
	s1 =	sand.u32 $0x60, s22;
	v4 =	vld [tilespmem:s4+$0x6000]  }
0x213: {  	s1 =	sor.u32 s1, s5;
	(xrf1) =	vsort.ascd.msk.f32 $0xffff, v0, v0;
	v0 =	vld [tilespmem:s4+$0x6010]  }
0x214: {  	(xrf1) =	vsort.ascd.msk.f32 $0xffff, v1, v1;
	v1 =	vld [tilespmem:s1+$0x6090]  }
0x215: {  	(xrf1) =	vsort.ascd.msk.f32 $0xffff, v2, v2;
	v2 =	vld [tilespmem:s1+$0x6080]  }
0x216: {  	(xrf1) =	vsort.ascd.msk.f32 $0xffff, v3, v3;
	v3 =	vld [tilespmem:s1+$0x6000]  }
0x217: {  	(xrf1) =	vsort.ascd.msk.f32 $0xffff, v4, v4;
	v4 =	vld [tilespmem:s1+$0x6010]  }
0x218: {  	(xrf1) =	vsort.ascd.msk.f32 $0xffff, v0, v0  }
0x219: {  	(xrf1) =	vsort.ascd.msk.f32 $0xffff, v1, v1  }
0x21a: {  	(xrf1) =	vsort.ascd.msk.f32 $0xffff, v2, v2  }
0x21b: {  	(xrf1) =	vsort.ascd.msk.f32 $0xffff, v3, v3  }
0x21c: {  	v3, _, _ =	vpop (xrf1);
	(xrf1) =	vsort.ascd.msk.f32 $0xffff, v4, v4;
	_ =	sdelay $0x1  }
0x21d: {  	s9 =	simm.s32 $0x60;
	s11 =	simm.s32 $0xC0  }
0x21e: {  	s30 =	sand.u32 $0x60, s9;
	s6 =	sand.u32 $0x1F00, s11  }
0x21f: {  	s8 =	sor.u32 s30, s6  }
0x220: {  	v0 =	vld [tilespmem:s8+$0x6090]  }
0x221: {  	v1 =	vld [tilespmem:s8+$0x6080]  }
0x222: {  	v2 =	vld [tilespmem:s8+$0x6000];
	[tilespmem:s0+$0x16090] =	vst v3;
	v3, _, _ =	vpop (xrf1)  }
.LBB2_29:
0x223: {  	s9 =	sadd.s32 $0x20, s9  }
0x224: {  	v4 =	vld [tilespmem:s8+$0x6010];
	s11 =	sadd.s32 $0x40, s11;
	[tilespmem:s0+$0x16080] =	vst v3;
	v3, _, _ =	vpop (xrf1);
	p0 =	slt.u32 s9, $0xFE0  }
.Ltmp18:
0x225: {  	s5 =	sand.u32 $0x60, s9;
	s6 =	sand.u32 $0x1F00, s11;
	[tilespmem:s0+$0x16000] =	vst v3;
	v3, _, _ =	vpop (xrf1);
	(pc) =	sbr.rel @p0 .LBB2_29-.Ltmp18, $4  }
0x226: {  	s5 =	sor.u32 s5, s6;
	(xrf1) =	vsort.ascd.msk.f32 $0xffff, v0, v0;
	[tilespmem:s0+$0x16010] =	vst v3;
	s0 =	smov.u32 s4  }
0x227: {  	s4 =	smov.u32 s1;
	s1 =	smov.u32 s8;
	v0 =	vld [tilespmem:s5+$0x6090];
	(xrf1) =	vsort.ascd.msk.f32 $0xffff, v1, v1;
	s8 =	smov.u32 s5  }
0x228: {  	v1 =	vld [tilespmem:s8+$0x6080];
	(xrf1) =	vsort.ascd.msk.f32 $0xffff, v2, v2;
	v3, _, _ =	vpop (xrf1)  }
0x229: {  	v2 =	vld [tilespmem:s8+$0x6000];
	(xrf1) =	vsort.ascd.msk.f32 $0xffff, v4, v4;
	[tilespmem:s0+$0x16090] =	vst v3;
	v3, _, _ =	vpop (xrf1)  }
0x22a: {  	v4 =	vld [tilespmem:s8+$0x6010];
	_ =	sdelay $0x1  }
0x22b: {  	(xrf1) =	vsort.ascd.msk.f32 $0xffff, v0, v0  }
0x22c: {  	(xrf1) =	vsort.ascd.msk.f32 $0xffff, v1, v1  }
0x22d: {  	(xrf1) =	vsort.ascd.msk.f32 $0xffff, v2, v2  }
0x22e: {  	(xrf1) =	vsort.ascd.msk.f32 $0xffff, v4, v4  }
0x22f: {  	v50, _, _ =	vpop (xrf1);
	[tilespmem:s0+$0x16080] =	vst v3  }
0x230: {  	v51, _, _ =	vpop (xrf1);
	[tilespmem:s0+$0x16000] =	vst v50  }
0x231: {  	v52, _, _ =	vpop (xrf1);
	[tilespmem:s0+$0x16010] =	vst v51  }
0x232: {  	[tilespmem:s4+$0x16090] =	vst v52;
	v53, _, _ =	vpop (xrf1)  }
0x233: {  	[tilespmem:s4+$0x16080] =	vst v53;
	v54, _, _ =	vpop (xrf1)  }
0x234: {  	[tilespmem:s4+$0x16000] =	vst v54;
	v55, _, _ =	vpop (xrf1)  }
0x235: {  	[tilespmem:s4+$0x16010] =	vst v55;
	v56, _, _ =	vpop (xrf1)  }
0x236: {  	[tilespmem:s1+$0x16090] =	vst v56;
	v57, _, _ =	vpop (xrf1)  }
0x237: {  	[tilespmem:s1+$0x16080] =	vst v57;
	v58, _, _ =	vpop (xrf1)  }
0x238: {  	[tilespmem:s1+$0x16000] =	vst v58;
	v59, _, _ =	vpop (xrf1)  }
0x239: {  	p0 =	seq.s32 s10, $0x1F;
	[tilespmem:s1+$0x16010] =	vst v59;
	v60, _, _ =	vpop (xrf1)  }
.Ltmp19:
0x23a: {  	[tilespmem:s8+$0x16090] =	vst v60;
	v61, _, _ =	vpop (xrf1);
	(pc) =	sbr.rel @p0 .LBB2_32-.Ltmp19, $4  }
0x23b: {  	[tilespmem:s8+$0x16080] =	vst v61;
	v62, _, _ =	vpop (xrf1)  }
0x23c: {  	[tilespmem:s8+$0x16000] =	vst v62;
	v63, _, _ =	vpop (xrf1)  }
0x23d: {  	s28 =	sadd.s32 s3, s28;
	s30 =	simm.s32 $0x16000;
	[tilespmem:s8+$0x16010] =	vst v63  }
0x23e: {  	[hbm4b:s28+s19] =	stream.strided.scatter [tilespmem:s30], [sflag:$0xC], $0x2000, s20, s19, $0x38;
	[tilespmem:$0x18000] =	vst v63  }
.Ltmp20:
0x23f: {  	s0 =	sadd.s32 s25, s17;
	(pc) =	sbr.rel .LBB2_2-.Ltmp20, $4  }
0x240: {  	s0 =	sshll.u32 s0, $0x9  }
0x241: {  	s1 =	rddreg [dreg:$0x7];
	s0 =	sand.u32 $0xFFE000, s0  }
0x242: {  	s10 =	sadd.s32 $0x1, s10;
	s0 =	sadd.s32 s0, s1  }
0x243: {  	[tilespmem:s23], [sflag:$0x4] =	stream.strided.gather [hbm4b:s0+s19], $0x2000, s20, s19, $0x38;
	[tilespmem:$0x18000] =	vst v63  }
.LBB2_33:
0x244: {  	_ =	sfence.sel $0x180000  }
0x245: {  	[bflag:$0x0] =	sbarrier.arrive $0xFFFF  }
0x246: {  	_ =	strace $0x90000047  }
0x247: {  	s0 =	stileid.u32;
	[bflag:$0x2] =	sbarrier.arrive $0xFFFF  }
0x248: {  	p0 =	sne.s32 s0, $0x0;
	s0 =	rddreg [dreg:$0x2]  }
0x249: {  	s0 =	sadd.s32 @!p0 $0x100000, s0  }
0x24a: {  	[sflag:s0] =	ssyncadd.tile.s32 @!p0 $0x1;
	_ =	shalt  }
.Lfunc_end2:
_tile_overlayer_lowered:
.L_overlay_start_2:
0x24b: {  	(tag) =	ssettag $0x2  }
0x24c: {  	s0 =	rddreg [dreg:$0x0];
	s2 =	stileid.u32  }
0x24d: {  	s1 =	rddreg [dreg:$0x1];
	p0 =	sne.s32 s2, $0x0  }
0x24e: {  	s3 =	rddreg [dreg:$0x2];
	[bflag:$0x3] =	sbarrier.arrive $0xFFFF;
	s2 =	simm.s32 @!p0 $0x1C0D  }
0x24f: {  	[timem:s3], [sflag:s2] =	dma.local @!p0 [hbm:s0], s1  }
0x250: {  	s0 =	simm.s32 @!p0 $0xD  }
0x251: {  	_ =	swait.ge @!p0 [sflag:s0], s1  }
0x252: {  	s1 =	ssub.s32 @!p0 $0x0, s1;
	[sflag:s0] =	ssyncset.done @!p0 $0x0  }
0x253: {  	[sflag:s0] =	ssyncadd.s32 @!p0 s1  }
0x254: {  	[bflag:$0x3] =	sbarrier.arrive $0xFFFF  }
0x255: {  	_ =	shalt  }

</sc_bundles>
